<compile_context>
chip_gen: v7x
topology: tpu7x:2x2x1
jax: 0.10.2.dev20260603
libtpu: 0.0.44.dev20260713+nightly
codegen_flags: <defaults>
</compile_context>

<pallas_src>
import functools

import jax
import jax.numpy as jnp
from jax import lax
from jax.experimental import pallas as pl
from jax.experimental.pallas import tpu as pltpu
from jax.experimental.pallas import tpu_sc as plsc

VOCAB = 100000
CHAR_DIM = 64
BATCH = 4096
SEQ_LEN = 200

_N = BATCH * SEQ_LEN
_LANE = 128
_NROWS = _N // _LANE
_NW = 32
_IROWS_W = _NROWS // _NW
_G = 2
_NBLK = _IROWS_W // _G


@functools.partial(
    pl.kernel,
    out_type=jax.ShapeDtypeStruct((_NROWS, _LANE, 2 * CHAR_DIM), jnp.float32),
    mesh=plsc.VectorSubcoreMesh(core_axis_name="c", subcore_axis_name="s"),
    scratch_types=[
        pltpu.VMEM((2, _G, _LANE), jnp.int32),
        pltpu.VMEM((2, _G, _LANE, 2 * CHAR_DIM), jnp.float32),
        pltpu.SemaphoreType.DMA,
        pltpu.SemaphoreType.DMA,
        pltpu.SemaphoreType.DMA,
    ],
    compiler_params=pltpu.CompilerParams(use_tc_tiling_on_sc=False),
)
def _emb_gather(idx_hbm, tab_hbm, out_hbm, idx_v, rows_v, sem_i, sem_g, sem_o):
    num_cores = 2
    wid = lax.axis_index("s") * num_cores + lax.axis_index("c")
    base = wid * _IROWS_W
    last = base + (_NBLK - 1) * _G

    pltpu.sync_copy(idx_hbm.at[pl.ds(base, _G)], idx_v.at[0])
    pltpu.async_copy(idx_hbm.at[pl.ds(base + _G, _G)], idx_v.at[1], sem_i)

    @pl.loop(0, _NBLK // 2)
    def _pair(p):
        for ph in range(2):
            cur, nxt = ph, 1 - ph
            b = 2 * p + ph
            r0 = base + b * _G
            gathers = [
                pltpu.async_copy(
                    tab_hbm.at[idx_v.at[cur].at[j]], rows_v.at[cur].at[j], sem_g
                )
                for j in range(_G)
            ]
            pltpu.make_async_copy(
                idx_hbm.at[pl.ds(base, _G)], idx_v.at[nxt], sem_i
            ).wait()
            for c in gathers:
                c.wait()
            r2 = jnp.minimum(r0 + 2 * _G, last)
            pltpu.async_copy(idx_hbm.at[pl.ds(r2, _G)], idx_v.at[cur], sem_i)

            @pl.when(b > 0)
            def _():
                pltpu.make_async_copy(
                    rows_v.at[nxt], out_hbm.at[pl.ds(base, _G)], sem_o
                ).wait()

            pltpu.async_copy(rows_v.at[cur], out_hbm.at[pl.ds(r0, _G)], sem_o)

    pltpu.make_async_copy(rows_v.at[1], out_hbm.at[pl.ds(base, _G)], sem_o).wait()
    pltpu.make_async_copy(idx_hbm.at[pl.ds(base, _G)], idx_v.at[0], sem_i).wait()


def kernel(x, char_lookup):
    idx = x.astype(jnp.int32).reshape(_NROWS, _LANE)
    tab128 = jnp.pad(char_lookup, ((0, 0), (0, CHAR_DIM)))
    out = _emb_gather(idx, tab128)
    return out.reshape(BATCH, SEQ_LEN, 2 * CHAR_DIM)[:, :, :CHAR_DIM]

# --- scband reference (transcript-rebuilt; emitter-appended) ---
"""Pipeline reference for scband-embeding-layer-58909771432894 (READ-ONLY COPY).

The authoritative reference and input builder live on the scoring server;
editing this copy changes nothing except your own understanding.
"""

import jax, jax.numpy as jnp
import numpy as np

VOCAB = 100000
CHAR_DIM = 64
BATCH = 4096
SEQ_LEN = 200

def setup_inputs(seed: int = 0) -> dict:
    key = jax.random.key(seed)
    k_idx, k_tab = jax.random.split(key)
    x = jax.random.randint(k_idx, (BATCH, SEQ_LEN), 0, VOCAB, dtype=jnp.int64 if jax.config.read('jax_enable_x64') else jnp.int32)
    char_lookup = jax.random.normal(k_tab, (VOCAB, CHAR_DIM), dtype=jnp.float32) * 0.02
    return {"x": x, "char_lookup": char_lookup}

def reference(x, char_lookup):
    # tf.nn.embedding_lookup(self.char_lookup, x)
    input_embedding = jnp.take(char_lookup, x, axis=0)
    # tf.reshape(..., [-1, input_length, char_dim])
    input_embedding = jnp.reshape(input_embedding, (-1, SEQ_LEN, CHAR_DIM))
    return input_embedding

if __name__ == "__main__":
    import jax
    _d = setup_inputs()
    print(jax.jit(kernel)(*tuple(_d.values())))

</pallas_src>

<mosaic_0001>
#map = affine_map<(d0, d1) -> (0, 0)>
#map1 = affine_map<(d0, d1) -> (0, 0, 0)>
module attributes {stable_mosaic.version = 14 : i64} {
  func.func @_emb_gather(%arg0: i32, %arg1: i32, %arg2: memref<6400x128xi32, #tpu.memory_space<hbm>>, %arg3: memref<100000x128xf32, #tpu.memory_space<hbm>>, %arg4: memref<6400x128x128xf32, #tpu.memory_space<hbm>>, %arg5: memref<2x2x128xi32, #tpu.memory_space<vmem>>, %arg6: memref<2x2x128x128xf32, #tpu.memory_space<vmem>>, %arg7: memref<!tpu.dma_semaphore, #tpu.memory_space<semaphore_mem>>, %arg8: memref<!tpu.dma_semaphore, #tpu.memory_space<semaphore_mem>>, %arg9: memref<!tpu.dma_semaphore, #tpu.memory_space<semaphore_mem>>) attributes {dimension_semantics = [#tpu.dimension_semantics<core_parallel>, #tpu.dimension_semantics<subcore_parallel>], iteration_bounds = array<i64: 2, 16>, scalar_prefetch = 0 : i64, scratch_operands = 5 : i64, tpu.core_type = #tpu.core_type<sc_vector_subcore>, window_params = [{transform_indices = #map}, {transform_indices = #map}, {transform_indices = #map1}]} {
    %mul3A = arith.constant 2 : i32
    %mul3A_0 = arith.muli %arg1, %mul3A : i32
    %add3A = arith.addi %mul3A_0, %arg0 : i32
    %mul3A_1 = arith.constant 200 : i32
    %mul3A_2 = arith.muli %add3A, %mul3A_1 : i32
    %add3A_3 = arith.constant 198 : i32
    %add3A_4 = arith.addi %mul3A_2, %add3A_3 : i32
    %run_scoped3A = arith.constant 0 : i32
    "tpu.region"() ({
      %run_scoped3A_52 = tpu.sem_alloc : memref<!tpu.dma_semaphore, #tpu.memory_space<semaphore_mem>>
      %dma_start3A_53 = arith.constant 0 : i32
      %dma_start3A_54 = arith.constant 0 : i32
      %dma_start3A_55 = tpu.memref_slice %arg5[%run_scoped3A, %dma_start3A_53, %dma_start3A_54] : memref<2x2x128xi32, #tpu.memory_space<vmem>> -> memref<1x2x128xi32, #tpu.memory_space<vmem>>
      %dma_start3A_56 = tpu.memref_squeeze %dma_start3A_55 : memref<1x2x128xi32, #tpu.memory_space<vmem>> -> memref<2x128xi32, #tpu.memory_space<vmem>>
      %dma_start3A_57 = arith.constant 0 : i32
      %dma_start3A_58 = tpu.memref_slice %arg2[%mul3A_2, %dma_start3A_57] : memref<6400x128xi32, #tpu.memory_space<hbm>> -> memref<2x128xi32, #tpu.memory_space<hbm>>
      %dma_start3A_59 = arith.constant 0 : i32
      %dma_start3A_60 = arith.constant 0 : i32
      %dma_start3A_61 = tpu.memref_slice %arg5[%run_scoped3A, %dma_start3A_59, %dma_start3A_60] : memref<2x2x128xi32, #tpu.memory_space<vmem>> -> memref<1x2x128xi32, #tpu.memory_space<vmem>>
      %dma_start3A_62 = tpu.memref_squeeze %dma_start3A_61 : memref<1x2x128xi32, #tpu.memory_space<vmem>> -> memref<2x128xi32, #tpu.memory_space<vmem>>
      %dma_start3A_63 = arith.constant 0 : i32
      %dma_start3A_64 = tpu.memref_slice %arg2[%mul3A_2, %dma_start3A_63] : memref<6400x128xi32, #tpu.memory_space<hbm>> -> memref<2x128xi32, #tpu.memory_space<hbm>>
      tpu.enqueue_dma source(%dma_start3A_64 : memref<2x128xi32, #tpu.memory_space<hbm>>) target(%dma_start3A_62 : memref<2x128xi32, #tpu.memory_space<vmem>>) target_semaphore(%run_scoped3A_52 : memref<!tpu.dma_semaphore, #tpu.memory_space<semaphore_mem>>)
      %dma_wait3A_65 = arith.constant 0 : i32
      %dma_wait3A_66 = arith.constant 0 : i32
      %dma_wait3A_67 = tpu.memref_slice %arg5[%run_scoped3A, %dma_wait3A_65, %dma_wait3A_66] : memref<2x2x128xi32, #tpu.memory_space<vmem>> -> memref<1x2x128xi32, #tpu.memory_space<vmem>>
      %dma_wait3A_68 = tpu.memref_squeeze %dma_wait3A_67 : memref<1x2x128xi32, #tpu.memory_space<vmem>> -> memref<2x128xi32, #tpu.memory_space<vmem>>
      %dma_wait3A_69 = arith.constant 0 : i32
      %dma_wait3A_70 = tpu.memref_slice %arg2[%mul3A_2, %dma_wait3A_69] : memref<6400x128xi32, #tpu.memory_space<hbm>> -> memref<2x128xi32, #tpu.memory_space<hbm>>
      %dma_wait3A_71 = arith.constant 0 : i32
      %dma_wait3A_72 = arith.constant 0 : i32
      %dma_wait3A_73 = tpu.memref_slice %arg5[%run_scoped3A, %dma_wait3A_71, %dma_wait3A_72] : memref<2x2x128xi32, #tpu.memory_space<vmem>> -> memref<1x2x128xi32, #tpu.memory_space<vmem>>
      %dma_wait3A_74 = tpu.memref_squeeze %dma_wait3A_73 : memref<1x2x128xi32, #tpu.memory_space<vmem>> -> memref<2x128xi32, #tpu.memory_space<vmem>>
      %dma_wait3A_75 = arith.constant 0 : i32
      %dma_wait3A_76 = tpu.memref_slice %arg2[%mul3A_2, %dma_wait3A_75] : memref<6400x128xi32, #tpu.memory_space<hbm>> -> memref<2x128xi32, #tpu.memory_space<hbm>>
      tpu.wait_dma2 semaphore(%run_scoped3A_52 : memref<!tpu.dma_semaphore, #tpu.memory_space<semaphore_mem>>) src(%dma_wait3A_76 : memref<2x128xi32, #tpu.memory_space<hbm>>) dst(%dma_wait3A_74 : memref<2x128xi32, #tpu.memory_space<vmem>>)
      tpu.yield
    }) : () -> ()
    %add3A_5 = arith.constant 2 : i32
    %add3A_6 = arith.addi %mul3A_2, %add3A_5 : i32
    %dma_start3A = arith.constant 1 : i32
    %dma_start3A_7 = arith.constant 0 : i32
    %dma_start3A_8 = arith.constant 0 : i32
    %dma_start3A_9 = tpu.memref_slice %arg5[%dma_start3A, %dma_start3A_7, %dma_start3A_8] : memref<2x2x128xi32, #tpu.memory_space<vmem>> -> memref<1x2x128xi32, #tpu.memory_space<vmem>>
    %dma_start3A_10 = tpu.memref_squeeze %dma_start3A_9 : memref<1x2x128xi32, #tpu.memory_space<vmem>> -> memref<2x128xi32, #tpu.memory_space<vmem>>
    %dma_start3A_11 = arith.constant 0 : i32
    %dma_start3A_12 = tpu.memref_slice %arg2[%add3A_6, %dma_start3A_11] : memref<6400x128xi32, #tpu.memory_space<hbm>> -> memref<2x128xi32, #tpu.memory_space<hbm>>
    %dma_start3A_13 = arith.constant 0 : i32
    %dma_start3A_14 = arith.constant 0 : i32
    %dma_start3A_15 = tpu.memref_slice %arg5[%dma_start3A, %dma_start3A_13, %dma_start3A_14] : memref<2x2x128xi32, #tpu.memory_space<vmem>> -> memref<1x2x128xi32, #tpu.memory_space<vmem>>
    %dma_start3A_16 = tpu.memref_squeeze %dma_start3A_15 : memref<1x2x128xi32, #tpu.memory_space<vmem>> -> memref<2x128xi32, #tpu.memory_space<vmem>>
    %dma_start3A_17 = arith.constant 0 : i32
    %dma_start3A_18 = tpu.memref_slice %arg2[%add3A_6, %dma_start3A_17] : memref<6400x128xi32, #tpu.memory_space<hbm>> -> memref<2x128xi32, #tpu.memory_space<hbm>>
    tpu.enqueue_dma source(%dma_start3A_18 : memref<2x128xi32, #tpu.memory_space<hbm>>) target(%dma_start3A_16 : memref<2x128xi32, #tpu.memory_space<vmem>>) target_semaphore(%arg7 : memref<!tpu.dma_semaphore, #tpu.memory_space<semaphore_mem>>)
    %scan3A = arith.constant 0 : i32
    %scan3A_19 = arith.constant 50 : i32
    %scan3A_20 = arith.addi %scan3A, %scan3A_19 : i32
    %scan3A_21 = arith.constant 1 : i32
    scf.for %scan3A_52 = %scan3A to %scan3A_20 step %scan3A_21  : i32 {
      %mul3A_53 = arith.constant 1 : i32
      %mul3A_54 = arith.muli %scan3A_52, %mul3A_53 : i32
      %add3A_55 = arith.constant 0 : i32
      %add3A_56 = arith.addi %add3A_55, %mul3A_54 : i32
      %mul3A_57 = arith.constant 2 : i32
      %mul3A_58 = arith.muli %mul3A_57, %add3A_56 : i32
      %add3A_59 = arith.constant 0 : i32
      %add3A_60 = arith.addi %mul3A_58, %add3A_59 : i32
      %mul3A_61 = arith.constant 2 : i32
      %mul3A_62 = arith.muli %add3A_60, %mul3A_61 : i32
      %add3A_63 = arith.addi %mul3A_2, %mul3A_62 : i32
      %dma_start3A_64 = arith.constant 0 : i32
      %dma_start3A_65 = arith.constant 0 : i32
      %dma_start3A_66 = arith.constant 0 : i32
      %dma_start3A_67 = arith.constant 0 : i32
      %dma_start3A_68 = arith.constant 0 : i32
      %dma_start3A_69 = arith.constant 0 : i32
      %dma_start3A_70 = arith.constant 0 : i32
      %dma_start3A_71 = tpu.memref_slice %arg6[%dma_start3A_66, %dma_start3A_68, %dma_start3A_69, %dma_start3A_70] : memref<2x2x128x128xf32, #tpu.memory_space<vmem>> -> memref<1x2x128x128xf32, #tpu.memory_space<vmem>>
      %dma_start3A_72 = tpu.memref_squeeze %dma_start3A_71 : memref<1x2x128x128xf32, #tpu.memory_space<vmem>> -> memref<2x128x128xf32, #tpu.memory_space<vmem>>
      %dma_start3A_73 = arith.constant 0 : i32
      %dma_start3A_74 = arith.constant 0 : i32
      %dma_start3A_75 = tpu.memref_slice %dma_start3A_72[%dma_start3A_67, %dma_start3A_73, %dma_start3A_74] : memref<2x128x128xf32, #tpu.memory_space<vmem>> -> memref<1x128x128xf32, #tpu.memory_space<vmem>>
      %dma_start3A_76 = tpu.memref_squeeze %dma_start3A_75 : memref<1x128x128xf32, #tpu.memory_space<vmem>> -> memref<128x128xf32, #tpu.memory_space<vmem>>
      %dma_start3A_77 = arith.constant 0 : i32
      %dma_start3A_78 = arith.constant 0 : i32
      %dma_start3A_79 = tpu.memref_slice %arg5[%dma_start3A_64, %dma_start3A_77, %dma_start3A_78] : memref<2x2x128xi32, #tpu.memory_space<vmem>> -> memref<1x2x128xi32, #tpu.memory_space<vmem>>
      %dma_start3A_80 = tpu.memref_squeeze %dma_start3A_79 : memref<1x2x128xi32, #tpu.memory_space<vmem>> -> memref<2x128xi32, #tpu.memory_space<vmem>>
      %dma_start3A_81 = arith.constant 0 : i32
      %dma_start3A_82 = tpu.memref_slice %dma_start3A_80[%dma_start3A_65, %dma_start3A_81] : memref<2x128xi32, #tpu.memory_space<vmem>> -> memref<1x128xi32, #tpu.memory_space<vmem>>
      %dma_start3A_83 = tpu.memref_squeeze %dma_start3A_82 : memref<1x128xi32, #tpu.memory_space<vmem>> -> memref<128xi32, #tpu.memory_space<vmem>>
      %dma_start3A_84 = arith.constant 0 : i32
      %dma_start3A_85 = arith.constant 0 : i32
      %dma_start3A_86 = tpu.memref_slice %arg3[%dma_start3A_84, %dma_start3A_85] : memref<100000x128xf32, #tpu.memory_space<hbm>> -> memref<100000x128xf32, #tpu.memory_space<hbm>>
      tpu.enqueue_indirect_dma source(%dma_start3A_86 : memref<100000x128xf32, #tpu.memory_space<hbm>>) target(%dma_start3A_76 : memref<128x128xf32, #tpu.memory_space<vmem>>) offsets(%dma_start3A_83 : memref<128xi32, #tpu.memory_space<vmem>>) semaphore(%arg8 : memref<!tpu.dma_semaphore, #tpu.memory_space<semaphore_mem>>)
      %dma_start3A_87 = arith.constant 0 : i32
      %dma_start3A_88 = arith.constant 1 : i32
      %dma_start3A_89 = arith.constant 0 : i32
      %dma_start3A_90 = arith.constant 1 : i32
      %dma_start3A_91 = arith.constant 0 : i32
      %dma_start3A_92 = arith.constant 0 : i32
      %dma_start3A_93 = arith.constant 0 : i32
      %dma_start3A_94 = tpu.memref_slice %arg6[%dma_start3A_89, %dma_start3A_91, %dma_start3A_92, %dma_start3A_93] : memref<2x2x128x128xf32, #tpu.memory_space<vmem>> -> memref<1x2x128x128xf32, #tpu.memory_space<vmem>>
      %dma_start3A_95 = tpu.memref_squeeze %dma_start3A_94 : memref<1x2x128x128xf32, #tpu.memory_space<vmem>> -> memref<2x128x128xf32, #tpu.memory_space<vmem>>
      %dma_start3A_96 = arith.constant 0 : i32
      %dma_start3A_97 = arith.constant 0 : i32
      %dma_start3A_98 = tpu.memref_slice %dma_start3A_95[%dma_start3A_90, %dma_start3A_96, %dma_start3A_97] : memref<2x128x128xf32, #tpu.memory_space<vmem>> -> memref<1x128x128xf32, #tpu.memory_space<vmem>>
      %dma_start3A_99 = tpu.memref_squeeze %dma_start3A_98 : memref<1x128x128xf32, #tpu.memory_space<vmem>> -> memref<128x128xf32, #tpu.memory_space<vmem>>
      %dma_start3A_100 = arith.constant 0 : i32
      %dma_start3A_101 = arith.constant 0 : i32
      %dma_start3A_102 = tpu.memref_slice %arg5[%dma_start3A_87, %dma_start3A_100, %dma_start3A_101] : memref<2x2x128xi32, #tpu.memory_space<vmem>> -> memref<1x2x128xi32, #tpu.memory_space<vmem>>
      %dma_start3A_103 = tpu.memref_squeeze %dma_start3A_102 : memref<1x2x128xi32, #tpu.memory_space<vmem>> -> memref<2x128xi32, #tpu.memory_space<vmem>>
      %dma_start3A_104 = arith.constant 0 : i32
      %dma_start3A_105 = tpu.memref_slice %dma_start3A_103[%dma_start3A_88, %dma_start3A_104] : memref<2x128xi32, #tpu.memory_space<vmem>> -> memref<1x128xi32, #tpu.memory_space<vmem>>
      %dma_start3A_106 = tpu.memref_squeeze %dma_start3A_105 : memref<1x128xi32, #tpu.memory_space<vmem>> -> memref<128xi32, #tpu.memory_space<vmem>>
      %dma_start3A_107 = arith.constant 0 : i32
      %dma_start3A_108 = arith.constant 0 : i32
      %dma_start3A_109 = tpu.memref_slice %arg3[%dma_start3A_107, %dma_start3A_108] : memref<100000x128xf32, #tpu.memory_space<hbm>> -> memref<100000x128xf32, #tpu.memory_space<hbm>>
      tpu.enqueue_indirect_dma source(%dma_start3A_109 : memref<100000x128xf32, #tpu.memory_space<hbm>>) target(%dma_start3A_99 : memref<128x128xf32, #tpu.memory_space<vmem>>) offsets(%dma_start3A_106 : memref<128xi32, #tpu.memory_space<vmem>>) semaphore(%arg8 : memref<!tpu.dma_semaphore, #tpu.memory_space<semaphore_mem>>)
      %dma_wait3A_110 = arith.constant 1 : i32
      %dma_wait3A_111 = arith.constant 0 : i32
      %dma_wait3A_112 = arith.constant 0 : i32
      %dma_wait3A_113 = tpu.memref_slice %arg5[%dma_wait3A_110, %dma_wait3A_111, %dma_wait3A_112] : memref<2x2x128xi32, #tpu.memory_space<vmem>> -> memref<1x2x128xi32, #tpu.memory_space<vmem>>
      %dma_wait3A_114 = tpu.memref_squeeze %dma_wait3A_113 : memref<1x2x128xi32, #tpu.memory_space<vmem>> -> memref<2x128xi32, #tpu.memory_space<vmem>>
      %dma_wait3A_115 = arith.constant 0 : i32
      %dma_wait3A_116 = tpu.memref_slice %arg2[%mul3A_2, %dma_wait3A_115] : memref<6400x128xi32, #tpu.memory_space<hbm>> -> memref<2x128xi32, #tpu.memory_space<hbm>>
      %dma_wait3A_117 = arith.constant 0 : i32
      %dma_wait3A_118 = arith.constant 0 : i32
      %dma_wait3A_119 = tpu.memref_slice %arg5[%dma_wait3A_110, %dma_wait3A_117, %dma_wait3A_118] : memref<2x2x128xi32, #tpu.memory_space<vmem>> -> memref<1x2x128xi32, #tpu.memory_space<vmem>>
      %dma_wait3A_120 = tpu.memref_squeeze %dma_wait3A_119 : memref<1x2x128xi32, #tpu.memory_space<vmem>> -> memref<2x128xi32, #tpu.memory_space<vmem>>
      %dma_wait3A_121 = arith.constant 0 : i32
      %dma_wait3A_122 = tpu.memref_slice %arg2[%mul3A_2, %dma_wait3A_121] : memref<6400x128xi32, #tpu.memory_space<hbm>> -> memref<2x128xi32, #tpu.memory_space<hbm>>
      tpu.wait_dma2 semaphore(%arg7 : memref<!tpu.dma_semaphore, #tpu.memory_space<semaphore_mem>>) src(%dma_wait3A_122 : memref<2x128xi32, #tpu.memory_space<hbm>>) dst(%dma_wait3A_120 : memref<2x128xi32, #tpu.memory_space<vmem>>)
      %dma_wait3A_123 = arith.constant 0 : i32
      %dma_wait3A_124 = arith.constant 0 : i32
      %dma_wait3A_125 = arith.constant 0 : i32
      %dma_wait3A_126 = arith.constant 0 : i32
      %dma_wait3A_127 = arith.constant 0 : i32
      %dma_wait3A_128 = arith.constant 0 : i32
      %dma_wait3A_129 = arith.constant 0 : i32
      %dma_wait3A_130 = tpu.memref_slice %arg6[%dma_wait3A_125, %dma_wait3A_127, %dma_wait3A_128, %dma_wait3A_129] : memref<2x2x128x128xf32, #tpu.memory_space<vmem>> -> memref<1x2x128x128xf32, #tpu.memory_space<vmem>>
      %dma_wait3A_131 = tpu.memref_squeeze %dma_wait3A_130 : memref<1x2x128x128xf32, #tpu.memory_space<vmem>> -> memref<2x128x128xf32, #tpu.memory_space<vmem>>
      %dma_wait3A_132 = arith.constant 0 : i32
      %dma_wait3A_133 = arith.constant 0 : i32
      %dma_wait3A_134 = tpu.memref_slice %dma_wait3A_131[%dma_wait3A_126, %dma_wait3A_132, %dma_wait3A_133] : memref<2x128x128xf32, #tpu.memory_space<vmem>> -> memref<1x128x128xf32, #tpu.memory_space<vmem>>
      %dma_wait3A_135 = tpu.memref_squeeze %dma_wait3A_134 : memref<1x128x128xf32, #tpu.memory_space<vmem>> -> memref<128x128xf32, #tpu.memory_space<vmem>>
      %dma_wait3A_136 = arith.constant 0 : i32
      %dma_wait3A_137 = arith.constant 0 : i32
      %dma_wait3A_138 = tpu.memref_slice %arg5[%dma_wait3A_123, %dma_wait3A_136, %dma_wait3A_137] : memref<2x2x128xi32, #tpu.memory_space<vmem>> -> memref<1x2x128xi32, #tpu.memory_space<vmem>>
      %dma_wait3A_139 = tpu.memref_squeeze %dma_wait3A_138 : memref<1x2x128xi32, #tpu.memory_space<vmem>> -> memref<2x128xi32, #tpu.memory_space<vmem>>
      %dma_wait3A_140 = arith.constant 0 : i32
      %dma_wait3A_141 = tpu.memref_slice %dma_wait3A_139[%dma_wait3A_124, %dma_wait3A_140] : memref<2x128xi32, #tpu.memory_space<vmem>> -> memref<1x128xi32, #tpu.memory_space<vmem>>
      %dma_wait3A_142 = tpu.memref_squeeze %dma_wait3A_141 : memref<1x128xi32, #tpu.memory_space<vmem>> -> memref<128xi32, #tpu.memory_space<vmem>>
      %dma_wait3A_143 = arith.constant 0 : i32
      %dma_wait3A_144 = arith.constant 0 : i32
      %dma_wait3A_145 = tpu.memref_slice %arg3[%dma_wait3A_143, %dma_wait3A_144] : memref<100000x128xf32, #tpu.memory_space<hbm>> -> memref<100000x128xf32, #tpu.memory_space<hbm>>
      tpu.wait_indirect_dma semaphore(%arg8 : memref<!tpu.dma_semaphore, #tpu.memory_space<semaphore_mem>>) src(%dma_wait3A_145 : memref<100000x128xf32, #tpu.memory_space<hbm>>) dst(%dma_wait3A_135 : memref<128x128xf32, #tpu.memory_space<vmem>>)
      %dma_wait3A_146 = arith.constant 0 : i32
      %dma_wait3A_147 = arith.constant 1 : i32
      %dma_wait3A_148 = arith.constant 0 : i32
      %dma_wait3A_149 = arith.constant 1 : i32
      %dma_wait3A_150 = arith.constant 0 : i32
      %dma_wait3A_151 = arith.constant 0 : i32
      %dma_wait3A_152 = arith.constant 0 : i32
      %dma_wait3A_153 = tpu.memref_slice %arg6[%dma_wait3A_148, %dma_wait3A_150, %dma_wait3A_151, %dma_wait3A_152] : memref<2x2x128x128xf32, #tpu.memory_space<vmem>> -> memref<1x2x128x128xf32, #tpu.memory_space<vmem>>
      %dma_wait3A_154 = tpu.memref_squeeze %dma_wait3A_153 : memref<1x2x128x128xf32, #tpu.memory_space<vmem>> -> memref<2x128x128xf32, #tpu.memory_space<vmem>>
      %dma_wait3A_155 = arith.constant 0 : i32
      %dma_wait3A_156 = arith.constant 0 : i32
      %dma_wait3A_157 = tpu.memref_slice %dma_wait3A_154[%dma_wait3A_149, %dma_wait3A_155, %dma_wait3A_156] : memref<2x128x128xf32, #tpu.memory_space<vmem>> -> memref<1x128x128xf32, #tpu.memory_space<vmem>>
      %dma_wait3A_158 = tpu.memref_squeeze %dma_wait3A_157 : memref<1x128x128xf32, #tpu.memory_space<vmem>> -> memref<128x128xf32, #tpu.memory_space<vmem>>
      %dma_wait3A_159 = arith.constant 0 : i32
      %dma_wait3A_160 = arith.constant 0 : i32
      %dma_wait3A_161 = tpu.memref_slice %arg5[%dma_wait3A_146, %dma_wait3A_159, %dma_wait3A_160] : memref<2x2x128xi32, #tpu.memory_space<vmem>> -> memref<1x2x128xi32, #tpu.memory_space<vmem>>
      %dma_wait3A_162 = tpu.memref_squeeze %dma_wait3A_161 : memref<1x2x128xi32, #tpu.memory_space<vmem>> -> memref<2x128xi32, #tpu.memory_space<vmem>>
      %dma_wait3A_163 = arith.constant 0 : i32
      %dma_wait3A_164 = tpu.memref_slice %dma_wait3A_162[%dma_wait3A_147, %dma_wait3A_163] : memref<2x128xi32, #tpu.memory_space<vmem>> -> memref<1x128xi32, #tpu.memory_space<vmem>>
      %dma_wait3A_165 = tpu.memref_squeeze %dma_wait3A_164 : memref<1x128xi32, #tpu.memory_space<vmem>> -> memref<128xi32, #tpu.memory_space<vmem>>
      %dma_wait3A_166 = arith.constant 0 : i32
      %dma_wait3A_167 = arith.constant 0 : i32
      %dma_wait3A_168 = tpu.memref_slice %arg3[%dma_wait3A_166, %dma_wait3A_167] : memref<100000x128xf32, #tpu.memory_space<hbm>> -> memref<100000x128xf32, #tpu.memory_space<hbm>>
      tpu.wait_indirect_dma semaphore(%arg8 : memref<!tpu.dma_semaphore, #tpu.memory_space<semaphore_mem>>) src(%dma_wait3A_168 : memref<100000x128xf32, #tpu.memory_space<hbm>>) dst(%dma_wait3A_158 : memref<128x128xf32, #tpu.memory_space<vmem>>)
      %add3A_169 = arith.constant 4 : i32
      %add3A_170 = arith.addi %add3A_63, %add3A_169 : i32
      %min3A = arith.minsi %add3A_170, %add3A_4 : i32
      %dma_start3A_171 = arith.constant 0 : i32
      %dma_start3A_172 = arith.constant 0 : i32
      %dma_start3A_173 = arith.constant 0 : i32
      %dma_start3A_174 = tpu.memref_slice %arg5[%dma_start3A_171, %dma_start3A_172, %dma_start3A_173] : memref<2x2x128xi32, #tpu.memory_space<vmem>> -> memref<1x2x128xi32, #tpu.memory_space<vmem>>
      %dma_start3A_175 = tpu.memref_squeeze %dma_start3A_174 : memref<1x2x128xi32, #tpu.memory_space<vmem>> -> memref<2x128xi32, #tpu.memory_space<vmem>>
      %dma_start3A_176 = arith.constant 0 : i32
      %dma_start3A_177 = tpu.memref_slice %arg2[%min3A, %dma_start3A_176] : memref<6400x128xi32, #tpu.memory_space<hbm>> -> memref<2x128xi32, #tpu.memory_space<hbm>>
      %dma_start3A_178 = arith.constant 0 : i32
      %dma_start3A_179 = arith.constant 0 : i32
      %dma_start3A_180 = tpu.memref_slice %arg5[%dma_start3A_171, %dma_start3A_178, %dma_start3A_179] : memref<2x2x128xi32, #tpu.memory_space<vmem>> -> memref<1x2x128xi32, #tpu.memory_space<vmem>>
      %dma_start3A_181 = tpu.memref_squeeze %dma_start3A_180 : memref<1x2x128xi32, #tpu.memory_space<vmem>> -> memref<2x128xi32, #tpu.memory_space<vmem>>
      %dma_start3A_182 = arith.constant 0 : i32
      %dma_start3A_183 = tpu.memref_slice %arg2[%min3A, %dma_start3A_182] : memref<6400x128xi32, #tpu.memory_space<hbm>> -> memref<2x128xi32, #tpu.memory_space<hbm>>
      tpu.enqueue_dma source(%dma_start3A_183 : memref<2x128xi32, #tpu.memory_space<hbm>>) target(%dma_start3A_181 : memref<2x128xi32, #tpu.memory_space<vmem>>) target_semaphore(%arg7 : memref<!tpu.dma_semaphore, #tpu.memory_space<semaphore_mem>>)
      %gt3A = arith.constant 0 : i32
      %gt3A_184 = arith.cmpi sgt, %add3A_60, %gt3A : i32
      %convert_element_type3A = arith.extui %gt3A_184 : i1 to i32
      %cond3A = arith.constant 0 : i32
      %cond3A_185 = arith.cmpi ne, %convert_element_type3A, %cond3A : i32
      scf.if %cond3A_185 {
        %dma_wait3A_353 = arith.constant 1 : i32
        %dma_wait3A_354 = arith.constant 0 : i32
        %dma_wait3A_355 = arith.constant 0 : i32
        %dma_wait3A_356 = arith.constant 0 : i32
        %dma_wait3A_357 = tpu.memref_slice %arg6[%dma_wait3A_353, %dma_wait3A_354, %dma_wait3A_355, %dma_wait3A_356] : memref<2x2x128x128xf32, #tpu.memory_space<vmem>> -> memref<1x2x128x128xf32, #tpu.memory_space<vmem>>
        %dma_wait3A_358 = tpu.memref_squeeze %dma_wait3A_357 : memref<1x2x128x128xf32, #tpu.memory_space<vmem>> -> memref<2x128x128xf32, #tpu.memory_space<vmem>>
        %dma_wait3A_359 = arith.constant 0 : i32
        %dma_wait3A_360 = arith.constant 0 : i32
        %dma_wait3A_361 = tpu.memref_slice %arg4[%mul3A_2, %dma_wait3A_359, %dma_wait3A_360] : memref<6400x128x128xf32, #tpu.memory_space<hbm>> -> memref<2x128x128xf32, #tpu.memory_space<hbm>>
        %dma_wait3A_362 = arith.constant 0 : i32
        %dma_wait3A_363 = arith.constant 0 : i32
        %dma_wait3A_364 = tpu.memref_slice %arg4[%mul3A_2, %dma_wait3A_362, %dma_wait3A_363] : memref<6400x128x128xf32, #tpu.memory_space<hbm>> -> memref<2x128x128xf32, #tpu.memory_space<hbm>>
        %dma_wait3A_365 = arith.constant 0 : i32
        %dma_wait3A_366 = arith.constant 0 : i32
        %dma_wait3A_367 = arith.constant 0 : i32
        %dma_wait3A_368 = tpu.memref_slice %arg6[%dma_wait3A_353, %dma_wait3A_365, %dma_wait3A_366, %dma_wait3A_367] : memref<2x2x128x128xf32, #tpu.memory_space<vmem>> -> memref<1x2x128x128xf32, #tpu.memory_space<vmem>>
        %dma_wait3A_369 = tpu.memref_squeeze %dma_wait3A_368 : memref<1x2x128x128xf32, #tpu.memory_space<vmem>> -> memref<2x128x128xf32, #tpu.memory_space<vmem>>
        tpu.wait_dma2 semaphore(%arg9 : memref<!tpu.dma_semaphore, #tpu.memory_space<semaphore_mem>>) src(%dma_wait3A_369 : memref<2x128x128xf32, #tpu.memory_space<vmem>>) dst(%dma_wait3A_364 : memref<2x128x128xf32, #tpu.memory_space<hbm>>)
      } else {
      }
      %dma_start3A_186 = arith.constant 0 : i32
      %dma_start3A_187 = arith.constant 0 : i32
      %dma_start3A_188 = arith.constant 0 : i32
      %dma_start3A_189 = arith.constant 0 : i32
      %dma_start3A_190 = tpu.memref_slice %arg6[%dma_start3A_186, %dma_start3A_187, %dma_start3A_188, %dma_start3A_189] : memref<2x2x128x128xf32, #tpu.memory_space<vmem>> -> memref<1x2x128x128xf32, #tpu.memory_space<vmem>>
      %dma_start3A_191 = tpu.memref_squeeze %dma_start3A_190 : memref<1x2x128x128xf32, #tpu.memory_space<vmem>> -> memref<2x128x128xf32, #tpu.memory_space<vmem>>
      %dma_start3A_192 = arith.constant 0 : i32
      %dma_start3A_193 = arith.constant 0 : i32
      %dma_start3A_194 = tpu.memref_slice %arg4[%add3A_63, %dma_start3A_192, %dma_start3A_193] : memref<6400x128x128xf32, #tpu.memory_space<hbm>> -> memref<2x128x128xf32, #tpu.memory_space<hbm>>
      %dma_start3A_195 = arith.constant 0 : i32
      %dma_start3A_196 = arith.constant 0 : i32
      %dma_start3A_197 = tpu.memref_slice %arg4[%add3A_63, %dma_start3A_195, %dma_start3A_196] : memref<6400x128x128xf32, #tpu.memory_space<hbm>> -> memref<2x128x128xf32, #tpu.memory_space<hbm>>
      %dma_start3A_198 = arith.constant 0 : i32
      %dma_start3A_199 = arith.constant 0 : i32
      %dma_start3A_200 = arith.constant 0 : i32
      %dma_start3A_201 = tpu.memref_slice %arg6[%dma_start3A_186, %dma_start3A_198, %dma_start3A_199, %dma_start3A_200] : memref<2x2x128x128xf32, #tpu.memory_space<vmem>> -> memref<1x2x128x128xf32, #tpu.memory_space<vmem>>
      %dma_start3A_202 = tpu.memref_squeeze %dma_start3A_201 : memref<1x2x128x128xf32, #tpu.memory_space<vmem>> -> memref<2x128x128xf32, #tpu.memory_space<vmem>>
      tpu.enqueue_dma source(%dma_start3A_202 : memref<2x128x128xf32, #tpu.memory_space<vmem>>) target(%dma_start3A_197 : memref<2x128x128xf32, #tpu.memory_space<hbm>>) target_semaphore(%arg9 : memref<!tpu.dma_semaphore, #tpu.memory_space<semaphore_mem>>)
      %mul3A_203 = arith.constant 2 : i32
      %mul3A_204 = arith.muli %mul3A_203, %add3A_56 : i32
      %add3A_205 = arith.constant 1 : i32
      %add3A_206 = arith.addi %mul3A_204, %add3A_205 : i32
      %mul3A_207 = arith.constant 2 : i32
      %mul3A_208 = arith.muli %add3A_206, %mul3A_207 : i32
      %add3A_209 = arith.addi %mul3A_2, %mul3A_208 : i32
      %dma_start3A_210 = arith.constant 1 : i32
      %dma_start3A_211 = arith.constant 0 : i32
      %dma_start3A_212 = arith.constant 1 : i32
      %dma_start3A_213 = arith.constant 0 : i32
      %dma_start3A_214 = arith.constant 0 : i32
      %dma_start3A_215 = arith.constant 0 : i32
      %dma_start3A_216 = arith.constant 0 : i32
      %dma_start3A_217 = tpu.memref_slice %arg6[%dma_start3A_212, %dma_start3A_214, %dma_start3A_215, %dma_start3A_216] : memref<2x2x128x128xf32, #tpu.memory_space<vmem>> -> memref<1x2x128x128xf32, #tpu.memory_space<vmem>>
      %dma_start3A_218 = tpu.memref_squeeze %dma_start3A_217 : memref<1x2x128x128xf32, #tpu.memory_space<vmem>> -> memref<2x128x128xf32, #tpu.memory_space<vmem>>
      %dma_start3A_219 = arith.constant 0 : i32
      %dma_start3A_220 = arith.constant 0 : i32
      %dma_start3A_221 = tpu.memref_slice %dma_start3A_218[%dma_start3A_213, %dma_start3A_219, %dma_start3A_220] : memref<2x128x128xf32, #tpu.memory_space<vmem>> -> memref<1x128x128xf32, #tpu.memory_space<vmem>>
      %dma_start3A_222 = tpu.memref_squeeze %dma_start3A_221 : memref<1x128x128xf32, #tpu.memory_space<vmem>> -> memref<128x128xf32, #tpu.memory_space<vmem>>
      %dma_start3A_223 = arith.constant 0 : i32
      %dma_start3A_224 = arith.constant 0 : i32
      %dma_start3A_225 = tpu.memref_slice %arg5[%dma_start3A_210, %dma_start3A_223, %dma_start3A_224] : memref<2x2x128xi32, #tpu.memory_space<vmem>> -> memref<1x2x128xi32, #tpu.memory_space<vmem>>
      %dma_start3A_226 = tpu.memref_squeeze %dma_start3A_225 : memref<1x2x128xi32, #tpu.memory_space<vmem>> -> memref<2x128xi32, #tpu.memory_space<vmem>>
      %dma_start3A_227 = arith.constant 0 : i32
      %dma_start3A_228 = tpu.memref_slice %dma_start3A_226[%dma_start3A_211, %dma_start3A_227] : memref<2x128xi32, #tpu.memory_space<vmem>> -> memref<1x128xi32, #tpu.memory_space<vmem>>
      %dma_start3A_229 = tpu.memref_squeeze %dma_start3A_228 : memref<1x128xi32, #tpu.memory_space<vmem>> -> memref<128xi32, #tpu.memory_space<vmem>>
      %dma_start3A_230 = arith.constant 0 : i32
      %dma_start3A_231 = arith.constant 0 : i32
      %dma_start3A_232 = tpu.memref_slice %arg3[%dma_start3A_230, %dma_start3A_231] : memref<100000x128xf32, #tpu.memory_space<hbm>> -> memref<100000x128xf32, #tpu.memory_space<hbm>>
      tpu.enqueue_indirect_dma source(%dma_start3A_232 : memref<100000x128xf32, #tpu.memory_space<hbm>>) target(%dma_start3A_222 : memref<128x128xf32, #tpu.memory_space<vmem>>) offsets(%dma_start3A_229 : memref<128xi32, #tpu.memory_space<vmem>>) semaphore(%arg8 : memref<!tpu.dma_semaphore, #tpu.memory_space<semaphore_mem>>)
      %dma_start3A_233 = arith.constant 1 : i32
      %dma_start3A_234 = arith.constant 1 : i32
      %dma_start3A_235 = arith.constant 1 : i32
      %dma_start3A_236 = arith.constant 1 : i32
      %dma_start3A_237 = arith.constant 0 : i32
      %dma_start3A_238 = arith.constant 0 : i32
      %dma_start3A_239 = arith.constant 0 : i32
      %dma_start3A_240 = tpu.memref_slice %arg6[%dma_start3A_235, %dma_start3A_237, %dma_start3A_238, %dma_start3A_239] : memref<2x2x128x128xf32, #tpu.memory_space<vmem>> -> memref<1x2x128x128xf32, #tpu.memory_space<vmem>>
      %dma_start3A_241 = tpu.memref_squeeze %dma_start3A_240 : memref<1x2x128x128xf32, #tpu.memory_space<vmem>> -> memref<2x128x128xf32, #tpu.memory_space<vmem>>
      %dma_start3A_242 = arith.constant 0 : i32
      %dma_start3A_243 = arith.constant 0 : i32
      %dma_start3A_244 = tpu.memref_slice %dma_start3A_241[%dma_start3A_236, %dma_start3A_242, %dma_start3A_243] : memref<2x128x128xf32, #tpu.memory_space<vmem>> -> memref<1x128x128xf32, #tpu.memory_space<vmem>>
      %dma_start3A_245 = tpu.memref_squeeze %dma_start3A_244 : memref<1x128x128xf32, #tpu.memory_space<vmem>> -> memref<128x128xf32, #tpu.memory_space<vmem>>
      %dma_start3A_246 = arith.constant 0 : i32
      %dma_start3A_247 = arith.constant 0 : i32
      %dma_start3A_248 = tpu.memref_slice %arg5[%dma_start3A_233, %dma_start3A_246, %dma_start3A_247] : memref<2x2x128xi32, #tpu.memory_space<vmem>> -> memref<1x2x128xi32, #tpu.memory_space<vmem>>
      %dma_start3A_249 = tpu.memref_squeeze %dma_start3A_248 : memref<1x2x128xi32, #tpu.memory_space<vmem>> -> memref<2x128xi32, #tpu.memory_space<vmem>>
      %dma_start3A_250 = arith.constant 0 : i32
      %dma_start3A_251 = tpu.memref_slice %dma_start3A_249[%dma_start3A_234, %dma_start3A_250] : memref<2x128xi32, #tpu.memory_space<vmem>> -> memref<1x128xi32, #tpu.memory_space<vmem>>
      %dma_start3A_252 = tpu.memref_squeeze %dma_start3A_251 : memref<1x128xi32, #tpu.memory_space<vmem>> -> memref<128xi32, #tpu.memory_space<vmem>>
      %dma_start3A_253 = arith.constant 0 : i32
      %dma_start3A_254 = arith.constant 0 : i32
      %dma_start3A_255 = tpu.memref_slice %arg3[%dma_start3A_253, %dma_start3A_254] : memref<100000x128xf32, #tpu.memory_space<hbm>> -> memref<100000x128xf32, #tpu.memory_space<hbm>>
      tpu.enqueue_indirect_dma source(%dma_start3A_255 : memref<100000x128xf32, #tpu.memory_space<hbm>>) target(%dma_start3A_245 : memref<128x128xf32, #tpu.memory_space<vmem>>) offsets(%dma_start3A_252 : memref<128xi32, #tpu.memory_space<vmem>>) semaphore(%arg8 : memref<!tpu.dma_semaphore, #tpu.memory_space<semaphore_mem>>)
      %dma_wait3A_256 = arith.constant 0 : i32
      %dma_wait3A_257 = arith.constant 0 : i32
      %dma_wait3A_258 = arith.constant 0 : i32
      %dma_wait3A_259 = tpu.memref_slice %arg5[%dma_wait3A_256, %dma_wait3A_257, %dma_wait3A_258] : memref<2x2x128xi32, #tpu.memory_space<vmem>> -> memref<1x2x128xi32, #tpu.memory_space<vmem>>
      %dma_wait3A_260 = tpu.memref_squeeze %dma_wait3A_259 : memref<1x2x128xi32, #tpu.memory_space<vmem>> -> memref<2x128xi32, #tpu.memory_space<vmem>>
      %dma_wait3A_261 = arith.constant 0 : i32
      %dma_wait3A_262 = tpu.memref_slice %arg2[%mul3A_2, %dma_wait3A_261] : memref<6400x128xi32, #tpu.memory_space<hbm>> -> memref<2x128xi32, #tpu.memory_space<hbm>>
      %dma_wait3A_263 = arith.constant 0 : i32
      %dma_wait3A_264 = arith.constant 0 : i32
      %dma_wait3A_265 = tpu.memref_slice %arg5[%dma_wait3A_256, %dma_wait3A_263, %dma_wait3A_264] : memref<2x2x128xi32, #tpu.memory_space<vmem>> -> memref<1x2x128xi32, #tpu.memory_space<vmem>>
      %dma_wait3A_266 = tpu.memref_squeeze %dma_wait3A_265 : memref<1x2x128xi32, #tpu.memory_space<vmem>> -> memref<2x128xi32, #tpu.memory_space<vmem>>
      %dma_wait3A_267 = arith.constant 0 : i32
      %dma_wait3A_268 = tpu.memref_slice %arg2[%mul3A_2, %dma_wait3A_267] : memref<6400x128xi32, #tpu.memory_space<hbm>> -> memref<2x128xi32, #tpu.memory_space<hbm>>
      tpu.wait_dma2 semaphore(%arg7 : memref<!tpu.dma_semaphore, #tpu.memory_space<semaphore_mem>>) src(%dma_wait3A_268 : memref<2x128xi32, #tpu.memory_space<hbm>>) dst(%dma_wait3A_266 : memref<2x128xi32, #tpu.memory_space<vmem>>)
      %dma_wait3A_269 = arith.constant 1 : i32
      %dma_wait3A_270 = arith.constant 0 : i32
      %dma_wait3A_271 = arith.constant 1 : i32
      %dma_wait3A_272 = arith.constant 0 : i32
      %dma_wait3A_273 = arith.constant 0 : i32
      %dma_wait3A_274 = arith.constant 0 : i32
      %dma_wait3A_275 = arith.constant 0 : i32
      %dma_wait3A_276 = tpu.memref_slice %arg6[%dma_wait3A_271, %dma_wait3A_273, %dma_wait3A_274, %dma_wait3A_275] : memref<2x2x128x128xf32, #tpu.memory_space<vmem>> -> memref<1x2x128x128xf32, #tpu.memory_space<vmem>>
      %dma_wait3A_277 = tpu.memref_squeeze %dma_wait3A_276 : memref<1x2x128x128xf32, #tpu.memory_space<vmem>> -> memref<2x128x128xf32, #tpu.memory_space<vmem>>
      %dma_wait3A_278 = arith.constant 0 : i32
      %dma_wait3A_279 = arith.constant 0 : i32
      %dma_wait3A_280 = tpu.memref_slice %dma_wait3A_277[%dma_wait3A_272, %dma_wait3A_278, %dma_wait3A_279] : memref<2x128x128xf32, #tpu.memory_space<vmem>> -> memref<1x128x128xf32, #tpu.memory_space<vmem>>
      %dma_wait3A_281 = tpu.memref_squeeze %dma_wait3A_280 : memref<1x128x128xf32, #tpu.memory_space<vmem>> -> memref<128x128xf32, #tpu.memory_space<vmem>>
      %dma_wait3A_282 = arith.constant 0 : i32
      %dma_wait3A_283 = arith.constant 0 : i32
      %dma_wait3A_284 = tpu.memref_slice %arg5[%dma_wait3A_269, %dma_wait3A_282, %dma_wait3A_283] : memref<2x2x128xi32, #tpu.memory_space<vmem>> -> memref<1x2x128xi32, #tpu.memory_space<vmem>>
      %dma_wait3A_285 = tpu.memref_squeeze %dma_wait3A_284 : memref<1x2x128xi32, #tpu.memory_space<vmem>> -> memref<2x128xi32, #tpu.memory_space<vmem>>
      %dma_wait3A_286 = arith.constant 0 : i32
      %dma_wait3A_287 = tpu.memref_slice %dma_wait3A_285[%dma_wait3A_270, %dma_wait3A_286] : memref<2x128xi32, #tpu.memory_space<vmem>> -> memref<1x128xi32, #tpu.memory_space<vmem>>
      %dma_wait3A_288 = tpu.memref_squeeze %dma_wait3A_287 : memref<1x128xi32, #tpu.memory_space<vmem>> -> memref<128xi32, #tpu.memory_space<vmem>>
      %dma_wait3A_289 = arith.constant 0 : i32
      %dma_wait3A_290 = arith.constant 0 : i32
      %dma_wait3A_291 = tpu.memref_slice %arg3[%dma_wait3A_289, %dma_wait3A_290] : memref<100000x128xf32, #tpu.memory_space<hbm>> -> memref<100000x128xf32, #tpu.memory_space<hbm>>
      tpu.wait_indirect_dma semaphore(%arg8 : memref<!tpu.dma_semaphore, #tpu.memory_space<semaphore_mem>>) src(%dma_wait3A_291 : memref<100000x128xf32, #tpu.memory_space<hbm>>) dst(%dma_wait3A_281 : memref<128x128xf32, #tpu.memory_space<vmem>>)
      %dma_wait3A_292 = arith.constant 1 : i32
      %dma_wait3A_293 = arith.constant 1 : i32
      %dma_wait3A_294 = arith.constant 1 : i32
      %dma_wait3A_295 = arith.constant 1 : i32
      %dma_wait3A_296 = arith.constant 0 : i32
      %dma_wait3A_297 = arith.constant 0 : i32
      %dma_wait3A_298 = arith.constant 0 : i32
      %dma_wait3A_299 = tpu.memref_slice %arg6[%dma_wait3A_294, %dma_wait3A_296, %dma_wait3A_297, %dma_wait3A_298] : memref<2x2x128x128xf32, #tpu.memory_space<vmem>> -> memref<1x2x128x128xf32, #tpu.memory_space<vmem>>
      %dma_wait3A_300 = tpu.memref_squeeze %dma_wait3A_299 : memref<1x2x128x128xf32, #tpu.memory_space<vmem>> -> memref<2x128x128xf32, #tpu.memory_space<vmem>>
      %dma_wait3A_301 = arith.constant 0 : i32
      %dma_wait3A_302 = arith.constant 0 : i32
      %dma_wait3A_303 = tpu.memref_slice %dma_wait3A_300[%dma_wait3A_295, %dma_wait3A_301, %dma_wait3A_302] : memref<2x128x128xf32, #tpu.memory_space<vmem>> -> memref<1x128x128xf32, #tpu.memory_space<vmem>>
      %dma_wait3A_304 = tpu.memref_squeeze %dma_wait3A_303 : memref<1x128x128xf32, #tpu.memory_space<vmem>> -> memref<128x128xf32, #tpu.memory_space<vmem>>
      %dma_wait3A_305 = arith.constant 0 : i32
      %dma_wait3A_306 = arith.constant 0 : i32
      %dma_wait3A_307 = tpu.memref_slice %arg5[%dma_wait3A_292, %dma_wait3A_305, %dma_wait3A_306] : memref<2x2x128xi32, #tpu.memory_space<vmem>> -> memref<1x2x128xi32, #tpu.memory_space<vmem>>
      %dma_wait3A_308 = tpu.memref_squeeze %dma_wait3A_307 : memref<1x2x128xi32, #tpu.memory_space<vmem>> -> memref<2x128xi32, #tpu.memory_space<vmem>>
      %dma_wait3A_309 = arith.constant 0 : i32
      %dma_wait3A_310 = tpu.memref_slice %dma_wait3A_308[%dma_wait3A_293, %dma_wait3A_309] : memref<2x128xi32, #tpu.memory_space<vmem>> -> memref<1x128xi32, #tpu.memory_space<vmem>>
      %dma_wait3A_311 = tpu.memref_squeeze %dma_wait3A_310 : memref<1x128xi32, #tpu.memory_space<vmem>> -> memref<128xi32, #tpu.memory_space<vmem>>
      %dma_wait3A_312 = arith.constant 0 : i32
      %dma_wait3A_313 = arith.constant 0 : i32
      %dma_wait3A_314 = tpu.memref_slice %arg3[%dma_wait3A_312, %dma_wait3A_313] : memref<100000x128xf32, #tpu.memory_space<hbm>> -> memref<100000x128xf32, #tpu.memory_space<hbm>>
      tpu.wait_indirect_dma semaphore(%arg8 : memref<!tpu.dma_semaphore, #tpu.memory_space<semaphore_mem>>) src(%dma_wait3A_314 : memref<100000x128xf32, #tpu.memory_space<hbm>>) dst(%dma_wait3A_304 : memref<128x128xf32, #tpu.memory_space<vmem>>)
      %add3A_315 = arith.constant 4 : i32
      %add3A_316 = arith.addi %add3A_209, %add3A_315 : i32
      %min3A_317 = arith.minsi %add3A_316, %add3A_4 : i32
      %dma_start3A_318 = arith.constant 1 : i32
      %dma_start3A_319 = arith.constant 0 : i32
      %dma_start3A_320 = arith.constant 0 : i32
      %dma_start3A_321 = tpu.memref_slice %arg5[%dma_start3A_318, %dma_start3A_319, %dma_start3A_320] : memref<2x2x128xi32, #tpu.memory_space<vmem>> -> memref<1x2x128xi32, #tpu.memory_space<vmem>>
      %dma_start3A_322 = tpu.memref_squeeze %dma_start3A_321 : memref<1x2x128xi32, #tpu.memory_space<vmem>> -> memref<2x128xi32, #tpu.memory_space<vmem>>
      %dma_start3A_323 = arith.constant 0 : i32
      %dma_start3A_324 = tpu.memref_slice %arg2[%min3A_317, %dma_start3A_323] : memref<6400x128xi32, #tpu.memory_space<hbm>> -> memref<2x128xi32, #tpu.memory_space<hbm>>
      %dma_start3A_325 = arith.constant 0 : i32
      %dma_start3A_326 = arith.constant 0 : i32
      %dma_start3A_327 = tpu.memref_slice %arg5[%dma_start3A_318, %dma_start3A_325, %dma_start3A_326] : memref<2x2x128xi32, #tpu.memory_space<vmem>> -> memref<1x2x128xi32, #tpu.memory_space<vmem>>
      %dma_start3A_328 = tpu.memref_squeeze %dma_start3A_327 : memref<1x2x128xi32, #tpu.memory_space<vmem>> -> memref<2x128xi32, #tpu.memory_space<vmem>>
      %dma_start3A_329 = arith.constant 0 : i32
      %dma_start3A_330 = tpu.memref_slice %arg2[%min3A_317, %dma_start3A_329] : memref<6400x128xi32, #tpu.memory_space<hbm>> -> memref<2x128xi32, #tpu.memory_space<hbm>>
      tpu.enqueue_dma source(%dma_start3A_330 : memref<2x128xi32, #tpu.memory_space<hbm>>) target(%dma_start3A_328 : memref<2x128xi32, #tpu.memory_space<vmem>>) target_semaphore(%arg7 : memref<!tpu.dma_semaphore, #tpu.memory_space<semaphore_mem>>)
      %gt3A_331 = arith.constant 0 : i32
      %gt3A_332 = arith.cmpi sgt, %add3A_206, %gt3A_331 : i32
      %convert_element_type3A_333 = arith.extui %gt3A_332 : i1 to i32
      %cond3A_334 = arith.constant 0 : i32
      %cond3A_335 = arith.cmpi ne, %convert_element_type3A_333, %cond3A_334 : i32
      scf.if %cond3A_335 {
        %dma_wait3A_353 = arith.constant 0 : i32
        %dma_wait3A_354 = arith.constant 0 : i32
        %dma_wait3A_355 = arith.constant 0 : i32
        %dma_wait3A_356 = arith.constant 0 : i32
        %dma_wait3A_357 = tpu.memref_slice %arg6[%dma_wait3A_353, %dma_wait3A_354, %dma_wait3A_355, %dma_wait3A_356] : memref<2x2x128x128xf32, #tpu.memory_space<vmem>> -> memref<1x2x128x128xf32, #tpu.memory_space<vmem>>
        %dma_wait3A_358 = tpu.memref_squeeze %dma_wait3A_357 : memref<1x2x128x128xf32, #tpu.memory_space<vmem>> -> memref<2x128x128xf32, #tpu.memory_space<vmem>>
        %dma_wait3A_359 = arith.constant 0 : i32
        %dma_wait3A_360 = arith.constant 0 : i32
        %dma_wait3A_361 = tpu.memref_slice %arg4[%mul3A_2, %dma_wait3A_359, %dma_wait3A_360] : memref<6400x128x128xf32, #tpu.memory_space<hbm>> -> memref<2x128x128xf32, #tpu.memory_space<hbm>>
        %dma_wait3A_362 = arith.constant 0 : i32
        %dma_wait3A_363 = arith.constant 0 : i32
        %dma_wait3A_364 = tpu.memref_slice %arg4[%mul3A_2, %dma_wait3A_362, %dma_wait3A_363] : memref<6400x128x128xf32, #tpu.memory_space<hbm>> -> memref<2x128x128xf32, #tpu.memory_space<hbm>>
        %dma_wait3A_365 = arith.constant 0 : i32
        %dma_wait3A_366 = arith.constant 0 : i32
        %dma_wait3A_367 = arith.constant 0 : i32
        %dma_wait3A_368 = tpu.memref_slice %arg6[%dma_wait3A_353, %dma_wait3A_365, %dma_wait3A_366, %dma_wait3A_367] : memref<2x2x128x128xf32, #tpu.memory_space<vmem>> -> memref<1x2x128x128xf32, #tpu.memory_space<vmem>>
        %dma_wait3A_369 = tpu.memref_squeeze %dma_wait3A_368 : memref<1x2x128x128xf32, #tpu.memory_space<vmem>> -> memref<2x128x128xf32, #tpu.memory_space<vmem>>
        tpu.wait_dma2 semaphore(%arg9 : memref<!tpu.dma_semaphore, #tpu.memory_space<semaphore_mem>>) src(%dma_wait3A_369 : memref<2x128x128xf32, #tpu.memory_space<vmem>>) dst(%dma_wait3A_364 : memref<2x128x128xf32, #tpu.memory_space<hbm>>)
      } else {
      }
      %dma_start3A_336 = arith.constant 1 : i32
      %dma_start3A_337 = arith.constant 0 : i32
      %dma_start3A_338 = arith.constant 0 : i32
      %dma_start3A_339 = arith.constant 0 : i32
      %dma_start3A_340 = tpu.memref_slice %arg6[%dma_start3A_336, %dma_start3A_337, %dma_start3A_338, %dma_start3A_339] : memref<2x2x128x128xf32, #tpu.memory_space<vmem>> -> memref<1x2x128x128xf32, #tpu.memory_space<vmem>>
      %dma_start3A_341 = tpu.memref_squeeze %dma_start3A_340 : memref<1x2x128x128xf32, #tpu.memory_space<vmem>> -> memref<2x128x128xf32, #tpu.memory_space<vmem>>
      %dma_start3A_342 = arith.constant 0 : i32
      %dma_start3A_343 = arith.constant 0 : i32
      %dma_start3A_344 = tpu.memref_slice %arg4[%add3A_209, %dma_start3A_342, %dma_start3A_343] : memref<6400x128x128xf32, #tpu.memory_space<hbm>> -> memref<2x128x128xf32, #tpu.memory_space<hbm>>
      %dma_start3A_345 = arith.constant 0 : i32
      %dma_start3A_346 = arith.constant 0 : i32
      %dma_start3A_347 = tpu.memref_slice %arg4[%add3A_209, %dma_start3A_345, %dma_start3A_346] : memref<6400x128x128xf32, #tpu.memory_space<hbm>> -> memref<2x128x128xf32, #tpu.memory_space<hbm>>
      %dma_start3A_348 = arith.constant 0 : i32
      %dma_start3A_349 = arith.constant 0 : i32
      %dma_start3A_350 = arith.constant 0 : i32
      %dma_start3A_351 = tpu.memref_slice %arg6[%dma_start3A_336, %dma_start3A_348, %dma_start3A_349, %dma_start3A_350] : memref<2x2x128x128xf32, #tpu.memory_space<vmem>> -> memref<1x2x128x128xf32, #tpu.memory_space<vmem>>
      %dma_start3A_352 = tpu.memref_squeeze %dma_start3A_351 : memref<1x2x128x128xf32, #tpu.memory_space<vmem>> -> memref<2x128x128xf32, #tpu.memory_space<vmem>>
      tpu.enqueue_dma source(%dma_start3A_352 : memref<2x128x128xf32, #tpu.memory_space<vmem>>) target(%dma_start3A_347 : memref<2x128x128xf32, #tpu.memory_space<hbm>>) target_semaphore(%arg9 : memref<!tpu.dma_semaphore, #tpu.memory_space<semaphore_mem>>)
    }
    %scan3A_22 = arith.constant 50 : i32
    %dma_wait3A = arith.constant 1 : i32
    %dma_wait3A_23 = arith.constant 0 : i32
    %dma_wait3A_24 = arith.constant 0 : i32
    %dma_wait3A_25 = arith.constant 0 : i32
    %dma_wait3A_26 = tpu.memref_slice %arg6[%dma_wait3A, %dma_wait3A_23, %dma_wait3A_24, %dma_wait3A_25] : memref<2x2x128x128xf32, #tpu.memory_space<vmem>> -> memref<1x2x128x128xf32, #tpu.memory_space<vmem>>
    %dma_wait3A_27 = tpu.memref_squeeze %dma_wait3A_26 : memref<1x2x128x128xf32, #tpu.memory_space<vmem>> -> memref<2x128x128xf32, #tpu.memory_space<vmem>>
    %dma_wait3A_28 = arith.constant 0 : i32
    %dma_wait3A_29 = arith.constant 0 : i32
    %dma_wait3A_30 = tpu.memref_slice %arg4[%mul3A_2, %dma_wait3A_28, %dma_wait3A_29] : memref<6400x128x128xf32, #tpu.memory_space<hbm>> -> memref<2x128x128xf32, #tpu.memory_space<hbm>>
    %dma_wait3A_31 = arith.constant 0 : i32
    %dma_wait3A_32 = arith.constant 0 : i32
    %dma_wait3A_33 = tpu.memref_slice %arg4[%mul3A_2, %dma_wait3A_31, %dma_wait3A_32] : memref<6400x128x128xf32, #tpu.memory_space<hbm>> -> memref<2x128x128xf32, #tpu.memory_space<hbm>>
    %dma_wait3A_34 = arith.constant 0 : i32
    %dma_wait3A_35 = arith.constant 0 : i32
    %dma_wait3A_36 = arith.constant 0 : i32
    %dma_wait3A_37 = tpu.memref_slice %arg6[%dma_wait3A, %dma_wait3A_34, %dma_wait3A_35, %dma_wait3A_36] : memref<2x2x128x128xf32, #tpu.memory_space<vmem>> -> memref<1x2x128x128xf32, #tpu.memory_space<vmem>>
    %dma_wait3A_38 = tpu.memref_squeeze %dma_wait3A_37 : memref<1x2x128x128xf32, #tpu.memory_space<vmem>> -> memref<2x128x128xf32, #tpu.memory_space<vmem>>
    tpu.wait_dma2 semaphore(%arg9 : memref<!tpu.dma_semaphore, #tpu.memory_space<semaphore_mem>>) src(%dma_wait3A_38 : memref<2x128x128xf32, #tpu.memory_space<vmem>>) dst(%dma_wait3A_33 : memref<2x128x128xf32, #tpu.memory_space<hbm>>)
    %dma_wait3A_39 = arith.constant 0 : i32
    %dma_wait3A_40 = arith.constant 0 : i32
    %dma_wait3A_41 = arith.constant 0 : i32
    %dma_wait3A_42 = tpu.memref_slice %arg5[%dma_wait3A_39, %dma_wait3A_40, %dma_wait3A_41] : memref<2x2x128xi32, #tpu.memory_space<vmem>> -> memref<1x2x128xi32, #tpu.memory_space<vmem>>
    %dma_wait3A_43 = tpu.memref_squeeze %dma_wait3A_42 : memref<1x2x128xi32, #tpu.memory_space<vmem>> -> memref<2x128xi32, #tpu.memory_space<vmem>>
    %dma_wait3A_44 = arith.constant 0 : i32
    %dma_wait3A_45 = tpu.memref_slice %arg2[%mul3A_2, %dma_wait3A_44] : memref<6400x128xi32, #tpu.memory_space<hbm>> -> memref<2x128xi32, #tpu.memory_space<hbm>>
    %dma_wait3A_46 = arith.constant 0 : i32
    %dma_wait3A_47 = arith.constant 0 : i32
    %dma_wait3A_48 = tpu.memref_slice %arg5[%dma_wait3A_39, %dma_wait3A_46, %dma_wait3A_47] : memref<2x2x128xi32, #tpu.memory_space<vmem>> -> memref<1x2x128xi32, #tpu.memory_space<vmem>>
    %dma_wait3A_49 = tpu.memref_squeeze %dma_wait3A_48 : memref<1x2x128xi32, #tpu.memory_space<vmem>> -> memref<2x128xi32, #tpu.memory_space<vmem>>
    %dma_wait3A_50 = arith.constant 0 : i32
    %dma_wait3A_51 = tpu.memref_slice %arg2[%mul3A_2, %dma_wait3A_50] : memref<6400x128xi32, #tpu.memory_space<hbm>> -> memref<2x128xi32, #tpu.memory_space<hbm>>
    tpu.wait_dma2 semaphore(%arg7 : memref<!tpu.dma_semaphore, #tpu.memory_space<semaphore_mem>>) src(%dma_wait3A_51 : memref<2x128xi32, #tpu.memory_space<hbm>>) dst(%dma_wait3A_49 : memref<2x128xi32, #tpu.memory_space<vmem>>)
    return
  }
}

</mosaic_0001>

<sc_bundles>
// kernel: kernel.3.cloned.1.call-start
scs
__scs_entry_jumppad:
0x0: {  	(pc) =	sbr.rel $0x88, $3  }
0x1: {  	(tag) =	ssettag $0x0;
	lr =	simm.s32 $0x1  }
0x2: {  	[smem:$0x3F9F] =	sst lr;
	_ =	strace $0xD0000000  }
0x3: {  	_ = 	snop  }
0x4: {  	_ = 	snop  }
0x5: {  	_ = 	snop  }
0x6: {  	_ = 	snop  }
0x7: {  	_ = 	snop  }
__scs_overlays_trampoline_lowered:
0x8: {  	[smem:$0x3FAE] =	sst s0  }
0x9: {  	[smem:$0x3FAF] =	sst s1  }
0xa: {  	[smem:$0x3FB0] =	sst s2  }
0xb: {  	[smem:$0x3FB1] =	sst s3  }
0xc: {  	[smem:$0x3FB2] =	sst s4  }
0xd: {  	[smem:$0x3FB3] =	sst s5  }
0xe: {  	[smem:$0x3FB4] =	sst s6  }
0xf: {  	[smem:$0x3FB5] =	sst s7  }
0x10: {  	[smem:$0x3FB6] =	sst s8  }
0x11: {  	[smem:$0x3FB7] =	sst s9;
	s0 =	simm.s32 @!p0 $0x0  }
0x12: {  	s1 =	sld [smem:$0x3F9D];
	s0 =	simm.s32 @p0 $0x1  }
0x13: {  	[smem:$0x3FB8] =	sst s0;
	s0 =	simm.s32 @!p1 $0x0  }
0x14: {  	s2 =	sld [smem:$0x3F9C];
	s0 =	simm.s32 @p1 $0x1  }
0x15: {  	[smem:$0x3FB9] =	sst s0;
	s0 =	simm.s32 @!p2 $0x0  }
0x16: {  	s3 =	sld [smem:$0x3FDB];
	s0 =	simm.s32 @p2 $0x1  }
0x17: {  	s4 =	simm.s32 $0x1BF5;
	[smem:$0x3FBB] =	sst s0  }
0x18: {  	s0 =	sld [smem:$0x3F9E];
	_ =	swait.ge [sflag:s4], $0x0  }
0x19: {  	s7 =	sld [smem:$0x3F9F]  }
0x1a: {  	s8 =	sadd.s32 $0xFFFFE003, lr  }
0x1b: {  	s9 =	sadd.s32 $0xFFFFFEF7, lr;
	s5 =	simm.s32 $0xFFFFFFFF;
	p2 =	slt.u32 s8, $0xFFFFF086  }
0x1c: {  	p1 =	slt.u32 s9, $0xF7A;
	s5 =	simm.s32 @!p2 $0x0  }
0x1d: {  	s5 =	simm.s32 @p1 $0x1;
	p0 =	seq.s32 s7, s2  }
0x1e: {  	s7 =	smul.u32 @!p0 $0xF7A, s2;
	p2 =	seq.s32 @!p0 s5, $0x0  }
0x1f: {  	s9 =	smul.u32 $0xF7A, s1;
	s8 =	simm.s32 @!p0 $0x1BF5;
	p2 =	por !p2, p0  }
0x20: {  	[sflag:s8] =	ssyncset.s32 @!p0 $0xFFFFF086;
	s6 =	sadd.s32 @!p0 s3, s7;
	s7 =	simm.s32 @!p0 $0x108  }
0x21: {  	s3 =	sadd.s32 s3, s9;
	s6 =	sadd.s32 @!p0 $0x88, s6;
	s7 =	simm.s32 @p2 $0x1082  }
0x22: {  	[simem:s7], [sflag:s8] =	dma.local @!p0 [hbm:s6], $0xF7A  }
0x23: {  	s9 =	sor.u32 $0xD0000000, s2;
	s6 =	simm.s32 $0x108;
	_ =	swait.ge @!p0 [sflag:s8], $0x0  }
0x24: {  	s3 =	sadd.s32 $0x88, s3;
	s6 =	simm.s32 @!p1 $0x1082;
	[sflag:s4] =	ssyncset.s32 $0xFFFFF086  }
0x25: {  	[simem:s6], [sflag:s4] =	dma.local [hbm:s3], $0xF7A  }
0x26: {  	[smem:$0x3F9F] =	sst s1;
	(tag) =	ssettag s2;
	_ =	strace s9  }
0x27: {  	s1 =	sld [smem:$0x3FAF]  }
0x28: {  	s2 =	sld [smem:$0x3FB0]  }
0x29: {  	s4 =	sld [smem:$0x3FB2]  }
0x2a: {  	p0 =	seq.s32 s5, $0x0;
	s5 =	sld [smem:$0x3FB3]  }
0x2b: {  	s6 =	sld [smem:$0x3FB4]  }
0x2c: {  	s7 =	sld [smem:$0x3FB5]  }
0x2d: {  	s3 =	simm.s32 $0x108;
	s8 =	sld [smem:$0x3FB6]  }
0x2e: {  	s3 =	simm.s32 @!p0 $0x1082;
	s9 =	sld [smem:$0x3FB7]  }
0x2f: {  	lr =	sadd.s32 s0, s3;
	s0 =	sld [smem:$0x3FAE]  }
0x30: {  	s3 =	sld [smem:$0x3FB1]  }
0x31: {  	[smem:$0x3FBA] =	sst s10  }
0x32: {  	s10 =	sld [smem:$0x3FB8];
	_ =	sdelay $0x3  }
0x33: {  	p0 =	seq.s32 s10, $0x1;
	s10 =	sld [smem:$0x3FBA];
	_ =	sdelay $0x3  }
0x34: {  	[smem:$0x3FBA] =	sst s10  }
0x35: {  	s10 =	sld [smem:$0x3FB9];
	_ =	sdelay $0x3  }
0x36: {  	p1 =	seq.s32 s10, $0x1;
	s10 =	sld [smem:$0x3FBA];
	_ =	sdelay $0x3  }
0x37: {  	[smem:$0x3FBA] =	sst s10  }
0x38: {  	s10 =	sld [smem:$0x3FBB]  }
0x39: {  	_ = 	snop;
	(pc) =	sbr.ind lr, $3  }
0x3a: {  	_ = 	snop  }
0x3b: {  	_ = 	snop  }
0x3c: {  	p2 =	seq.s32 s10, $0x1;
	s10 =	sld [smem:$0x3FBA]  }
0x3d: {  	_ =	shalt  }
0x3e: {  	_ =	shalt  }
0x3f: {  	_ =	shalt  }
0x40: {  	_ =	shalt  }
0x41: {  	_ =	shalt  }
0x42: {  	_ =	shalt  }
0x43: {  	_ =	shalt  }
0x44: {  	_ =	shalt  }
0x45: {  	_ =	shalt  }
0x46: {  	_ =	shalt  }
0x47: {  	_ =	shalt  }
0x48: {  	_ =	shalt  }
0x49: {  	_ =	shalt  }
0x4a: {  	_ =	shalt  }
0x4b: {  	_ =	shalt  }
0x4c: {  	_ =	shalt  }
0x4d: {  	_ =	shalt  }
0x4e: {  	_ =	shalt  }
0x4f: {  	_ =	shalt  }
0x50: {  	_ =	shalt  }
0x51: {  	_ =	shalt  }
0x52: {  	_ =	shalt  }
0x53: {  	_ =	shalt  }
0x54: {  	_ =	shalt  }
0x55: {  	_ =	shalt  }
0x56: {  	_ =	shalt  }
0x57: {  	_ =	shalt  }
0x58: {  	_ =	shalt  }
0x59: {  	_ =	shalt  }
0x5a: {  	_ =	shalt  }
0x5b: {  	_ =	shalt  }
0x5c: {  	_ =	shalt  }
0x5d: {  	_ =	shalt  }
0x5e: {  	_ =	shalt  }
0x5f: {  	_ =	shalt  }
0x60: {  	_ =	shalt  }
0x61: {  	_ =	shalt  }
0x62: {  	_ =	shalt  }
0x63: {  	_ =	shalt  }
0x64: {  	_ =	shalt  }
0x65: {  	_ =	shalt  }
0x66: {  	_ =	shalt  }
0x67: {  	_ =	shalt  }
0x68: {  	_ =	shalt  }
0x69: {  	_ =	shalt  }
0x6a: {  	_ =	shalt  }
0x6b: {  	_ =	shalt  }
0x6c: {  	_ =	shalt  }
0x6d: {  	_ =	shalt  }
0x6e: {  	_ =	shalt  }
0x6f: {  	_ =	shalt  }
0x70: {  	_ =	shalt  }
0x71: {  	_ =	shalt  }
0x72: {  	_ =	shalt  }
0x73: {  	_ =	shalt  }
0x74: {  	_ =	shalt  }
0x75: {  	_ =	shalt  }
0x76: {  	_ =	shalt  }
0x77: {  	_ =	shalt  }
0x78: {  	_ =	shalt  }
0x79: {  	_ =	shalt  }
0x7a: {  	_ =	shalt  }
0x7b: {  	_ =	shalt  }
0x7c: {  	_ =	shalt  }
0x7d: {  	_ =	shalt  }
0x7e: {  	_ =	shalt  }
0x7f: {  	_ =	shalt  }
0x80: {  	_ =	shalt  }
0x81: {  	_ =	shalt  }
0x82: {  	_ =	shalt  }
0x83: {  	_ =	shalt  }
0x84: {  	_ =	shalt  }
0x85: {  	_ =	shalt  }
0x86: {  	_ =	shalt  }
0x87: {  	_ =	shalt  }
.Lfunc_end0:
.L_simem_size_0:
called_computation.1_lowered:
.L_overlay_start_0:
0x88: {  	s2 =	sld [smem:$0x3FD9]  }
0x89: {  	s3 =	sld [smem:$0x3FFE];
	_ =	sdelay $0x1  }
0x8a: {  	s1 =	srdreg.scid  }
0x8b: {  	s0 =	sand.u32 $0x1, s1  }
0x8c: {  	s16 =	sshll.u32 s0, $0xA;
	s2 =	sadd.s32 s3, s2  }
0x8d: {  	s2 =	sadd.s32 s2, s16  }
0x8e: {  	[smem:$0x3FC6] =	sst s2  }
0x8f: {  	_ = 	snop  }
0x90: {  	(tm) =	ssettm $0x1  }
0x91: {  	s17 =	sld [smem:$0x3FFB];
	_ =	sdelay $0x3  }
0x92: {  	_ =	strace s17  }
0x93: {  	s2 =	sld [smem:$0x3FFC];
	_ =	sdelay $0x3  }
0x94: {  	_ =	strace s2  }
0x95: {  	s2 =	sld [smem:$0x3FFD];
	_ =	sdelay $0x3  }
0x96: {  	_ =	strace s2  }
0x97: {  	_ =	strace $0x8FFFFFFF  }
0x98: {  	s18 =	sld [smem:$0x3FDB];
	_ =	sdelay $0x1  }
0x99: {  	s19 =	simm.s32 $_scs_section_size  }
0x9a: {  	s4 =	simm.s32 $_size__tile_overlayer_lowered;
	s5 =	simm.s32 $_tile_overlayer_lowered  }
0x9b: {  	s22 =	simm.s32 $0x1BFF;
	s21 =	sshll.u32 s5, $0x1;
	s2 =	sadd.s32 s19, s18  }
0x9c: {  	s6 =	simm.s32 $0x0;
	s20 =	sshll.u32 s4, $0x1;
	s4 =	sadd.s32 s21, s2  }
0x9d: {  	[timem:s6], [sflag:s22] =	dma.local [hbm:s4], s20  }
0x9e: {  	_ =	swait.ge [sflag:s22], s20  }
0x9f: {  	s3 =	ssub.s32 $0x0, s20;
	[sflag:s22] =	ssyncset.done $0x0  }
0xa0: {  	[sflag:s22] =	ssyncadd.s32 s3;
	_ =	sdelay $0x1  }
0xa1: {  	s23 =	simm.s32 $0x1B8B  }
0xa2: {  	_ =	swait.ge [sflag:s23], $0x1  }
0xa3: {  	[sflag:s23] =	ssyncset.done $0x0  }
0xa4: {  	s25 =	simm.s32 $0x1B8E;
	s24 =	sld [smem:$0x3FFE];
	[sflag:s23] =	ssyncadd.s32 $0xFFFFFFFF  }
0xa5: {  	s26 =	simm.s32 $execute0_lowered;
	[smem:$0x3FD2] =	sst s25  }
0xa6: {  	s4 =	sshll.u32 s26, $0x1;
	_ =	strace $0x80000046;
	[dreg:$0x1] =	wrdreg $0xFFFFFFFF  }
0xa7: {  	s28 =	simm.s32 $_size_execute0_lowered;
	s2 =	sadd.s32 s2, s4;
	[dreg:$0x0] =	wrdreg $0x0  }
0xa8: {  	s4 =	sshll.u32 s28, $0x1;
	[dreg:$0x2] =	wrdreg s2  }
0xa9: {  	[dreg:$0x3] =	wrdreg s4  }
0xaa: {  	[dreg:$0x4] =	wrdreg $0xC0  }
0xab: {  	_ =	task [dreg:s6], $0x5FFFF  }
0xac: {  	[dreg:$0x1] =	wrdreg $0xFFFFFFFF  }
0xad: {  	[dreg:$0x0] =	wrdreg $0x60  }
0xae: {  	[dreg:$0x2] =	wrdreg s24  }
0xaf: {  	[dreg:$0x3] =	wrdreg $0x9  }
0xb0: {  	_ =	task.clear_ibuf [dreg:s6], $0x4FFFF;
	_ =	strace $0x90000046  }
0xb1: {  	s29 =	simm.s32 $0x9;
	_ =	strace $0x80000048  }
0xb2: {  	_ =	swait.ge [sflag:s29], $0x1  }
0xb3: {  	[sflag:s29] =	ssyncadd.s32 $0xFFFFFFFF  }
0xb4: {  	_ =	strace $0x90000048  }
0xb5: {  	_ =	sfence  }
0xb6: {  	s30 =	sld [smem:$0x0];
	_ =	sdelay $0x2  }
0xb7: {  	s31 =	sshll.u32 s1, $0xD;
	s1 =	sshrl.u32 s1, $0x2  }
0xb8: {  	s3 =	sand.u32 $0x4000, s31;
	s1 =	sadd.s32 s1, s30  }
0xb9: {  	s0 =	sor.u32 s3, s0;
	s1 =	sshll.u32 s1, $0x11  }
0xba: {  	s0 =	sor.u32 s1, s0  }
0xbb: {  	s0 =	sadd.s32 $0x8F2B, s0  }
0xbc: {  	[sflag:s0] =	ssyncadd.remote.s32 $0x1  }
0xbd: {  	_ =	sfence.sel $0xFFFF  }
0xbe: {  	[dreg:$0x0] =	wrdreg $0xFFFFFFFF;
	(pc) =	sbr.abs _section_cstart, $3  }
0xbf: {  	[dreg:$0x1] =	wrdreg $0xFFFFFFFF  }
0xc0: {  	_ =	task.clear_ibuf [dreg:s6], $0x2FFFF;
	_ =	strace $0x9FFFFFFF  }
0xc1: {  	(tm) =	ssettm $0x7FFFFFFF  }
tec
execute0_lowered:
.L_overlay_start_1:
0x0: {  	(tag) =	ssettag $0x1  }
0x1: {  	s5 =	rddreg [dreg:$0x0];
	s2 =	simm.s32 $0x0;
	s3 =	srdreg.scid  }
0x2: {  	s0 =	stileid.u32;
	s18 =	simm.s32 $0x80;
	s19 =	simm.s32 $0x200  }
0x3: {  	s20 =	simm.s32 $0x4200;
	s21 =	simm.s32 $0x1;
	s22 =	simm.s32 $0x2  }
0x4: {  	s23 =	simm.s32 $0x8200;
	s24 =	simm.s32 $0x180;
	s25 =	simm.s32 $0xC200  }
0x5: {  	s28 =	simm.s32 $0x0;
	[smem:$0x7FF] =	sst s2;
	s14 =	smul.u32 $0x190, s0  }
0x6: {  	s11 =	sand.u32 $0x1, s3;
	s26 =	sshll.u32 s0, $0x1;
	s30 =	smul.u32 $0xC8000, s0  }
0x7: {  	s3 =	sadd.s32 $0x800, s5;
	s4 =	sadd.s32 $0x19800, s5;
	s16 =	smul.u32 $0xC8, s11  }
0x8: {  	s13 =	sadd.s32 $0x1A0200, s5;
	s8 =	sor.u32 s11, s26;
	s31 =	smul.u32 $0x64000, s11  }
0x9: {  	_ =	strace $0x80000047;
	s6 =	ssub.s32 $0x2, s11;
	s7 =	smul.u32 $0xC80, s8  }
0xa: {  	s26 =	simm.s32 $0x3;
	s9 =	sshrl.u32 s6, $0x1;
	s10 =	smul.u32 $0xC8, s8  }
0xb: {  	s12 =	smul.u32 $0x64000, s8;
	s9 =	ssub.s32 s6, s9;
	s14 =	sadd.s32 s16, s14  }
0xc: {  	s16 =	simm.s32 $0x4;
	s5 =	sadd.s32 s3, s7;
	s1 =	sadd.s32 $0xC6, s10  }
0xd: {  	s8 =	smax.u32 s9, $0x1;
	s10 =	sor.u32 $0x6, s10;
	s17 =	sshll.u32 s14, $0xB  }
0xe: {  	s14 =	sadd.s32 $0xA, s14;
	s7 =	sadd.s32 $0x20, s5;
	s15 =	smin.u32 s10, s1  }
0xf: {  	s9 =	sadd.s32 $0x40, s5;
	s10 =	sadd.s32 s13, s12;
	s29 =	sshll.u32 s15, $0x4  }
0x10: {  	s15 =	sadd.s32 s30, s13;
	s13 =	sadd.s32 s17, s13;
	s17 =	simm.s32 $0x100  }
0x11: {  	s12 =	sand.u32 $0x1FFFFFE0, s29;
	s15 =	sadd.s32 s31, s15;
	s13 =	sadd.s32 $0x3000, s13  }
0x12: {  	s11 =	sadd.s32 s3, s12;
	s12 =	sadd.s32 $0x1000, s10;
	s15 =	sadd.s32 $0x2000, s15  }
.LBB2_1:
0x13: {  	[tilespmem:s2], [sflag:$0x4] =	stream.linear.gather [hbm4b:s5+s2], $0x100, $0x38;
	[tilespmem:$0x10200] =	vst v63  }
0x14: {  	_ =	swait.ge [sflag:s16], $0x100  }
0x15: {  	[sflag:s16] =	ssyncset.done $0x0  }
0x16: {  	[sflag:s16] =	ssyncadd.s32 $0xFFFFFF00  }
0x17: {  	[tilespmem:s17], [sflag:$0x1] =	stream.linear.gather [hbm4b:s7+s2], $0x100, $0x38;
	[tilespmem:$0x10200] =	vst v63  }
0x18: {  	_ = 	snop  }
0x19: {  	[tilespmem:s19], [sflag:$0x2] =	stream.indirect.gather [hbm4b:s4+s18], $0x80, s2, s18, $0xb8;
	[tilespmem:$0x10200] =	vst v63  }
0x1a: {  	_ = 	snop  }
0x1b: {  	[tilespmem:s20], [sflag:$0x2] =	stream.indirect.gather [hbm4b:s4+s18], $0x80, s18, s18, $0xb8;
	[tilespmem:$0x10200] =	vst v63  }
0x1c: {  	_ =	swait.ge [sflag:s21], $0x100  }
0x1d: {  	[sflag:s21] =	ssyncset.done $0x0  }
0x1e: {  	[sflag:s21] =	ssyncadd.s32 $0xFFFFFF00  }
0x1f: {  	_ =	swait.ge [sflag:s22], $0x4000  }
0x20: {  	[sflag:s22] =	ssyncset.done $0x0  }
0x21: {  	[sflag:s22] =	ssyncadd.s32 $0xFFFFC000  }
0x22: {  	_ =	swait.ge [sflag:s22], $0x4000  }
0x23: {  	[sflag:s22] =	ssyncset.done $0x0  }
0x24: {  	[sflag:s22] =	ssyncadd.s32 $0xFFFFC000  }
0x25: {  	[tilespmem:s2], [sflag:$0x1] =	stream.linear.gather [hbm4b:s9+s2], $0x100, $0x38;
	[tilespmem:$0x10200] =	vst v63  }
0x26: {  	_ = 	snop  }
0x27: {  	[hbm4b:s10+s2] =	stream.linear.scatter [tilespmem:s19], [sflag:$0x3], $0x8000, $0x38;
	[tilespmem:$0x10200] =	vst v63  }
0x28: {  	_ = 	snop  }
0x29: {  	[tilespmem:s23], [sflag:$0x2] =	stream.indirect.gather [hbm4b:s4+s18], $0x80, s17, s18, $0xb8;
	[tilespmem:$0x10200] =	vst v63  }
0x2a: {  	_ = 	snop  }
0x2b: {  	[tilespmem:s25], [sflag:$0x2] =	stream.indirect.gather [hbm4b:s4+s18], $0x80, s24, s18, $0xb8;
	[tilespmem:$0x10200] =	vst v63  }
0x2c: {  	_ =	swait.ge [sflag:s21], $0x100  }
0x2d: {  	[sflag:s21] =	ssyncset.done $0x0  }
0x2e: {  	[sflag:s21] =	ssyncadd.s32 $0xFFFFFF00  }
0x2f: {  	_ =	swait.ge [sflag:s22], $0x4000  }
0x30: {  	[sflag:s22] =	ssyncset.done $0x0  }
0x31: {  	[sflag:s22] =	ssyncadd.s32 $0xFFFFC000  }
0x32: {  	_ =	swait.ge [sflag:s22], $0x4000  }
0x33: {  	[sflag:s22] =	ssyncset.done $0x0  }
0x34: {  	[sflag:s22] =	ssyncadd.s32 $0xFFFFC000  }
0x35: {  	[tilespmem:s17], [sflag:$0x1] =	stream.linear.gather [hbm4b:s11+s2], $0x100, $0x38;
	[tilespmem:$0x10200] =	vst v63  }
0x36: {  	_ =	swait.ge [sflag:s26], $0x8000  }
0x37: {  	[sflag:s26] =	ssyncset.done $0x0  }
0x38: {  	[sflag:s26] =	ssyncadd.s32 $0xFFFF8000  }
0x39: {  	[hbm4b:s12+s2] =	stream.linear.scatter [tilespmem:s23], [sflag:$0x3], $0x8000, $0x38;
	[tilespmem:$0x10200] =	vst v63  }
0x3a: {  	_ = 	snop  }
0x3b: {  	[tilespmem:s19], [sflag:$0x2] =	stream.indirect.gather [hbm4b:s4+s18], $0x80, s2, s18, $0xb8;
	[tilespmem:$0x10200] =	vst v63  }
0x3c: {  	_ = 	snop  }
0x3d: {  	[tilespmem:s20], [sflag:$0x2] =	stream.indirect.gather [hbm4b:s4+s18], $0x80, s18, s18, $0xb8;
	[tilespmem:$0x10200] =	vst v63  }
0x3e: {  	_ =	swait.ge [sflag:s21], $0x100  }
0x3f: {  	[sflag:s21] =	ssyncset.done $0x0  }
0x40: {  	[sflag:s21] =	ssyncadd.s32 $0xFFFFFF00  }
0x41: {  	s29 =	sadd.s32 $0xFFFFFFFE, s14;
	_ =	swait.ge [sflag:s22], $0x4000  }
0x42: {  	s30 =	smov.u32 s1;
	p0 =	slt.s32 s29, s1;
	[sflag:s22] =	ssyncset.done $0x0  }
0x43: {  	s30 =	smov.u32 @p0 s29;
	[sflag:s22] =	ssyncadd.s32 $0xFFFFC000  }
0x44: {  	s29 =	sshll.u32 s30, $0x4;
	_ =	swait.ge [sflag:s22], $0x4000  }
0x45: {  	s29 =	sand.u32 $0x1FFFFFE0, s29;
	[sflag:s22] =	ssyncset.done $0x0  }
0x46: {  	s29 =	sadd.s32 s3, s29;
	[sflag:s22] =	ssyncadd.s32 $0xFFFFC000  }
0x47: {  	[tilespmem:s2], [sflag:$0x1] =	stream.linear.gather [hbm4b:s29+s2], $0x100, $0x38;
	[tilespmem:$0x10200] =	vst v63  }
0x48: {  	_ =	swait.ge [sflag:s26], $0x8000  }
0x49: {  	[sflag:s26] =	ssyncset.done $0x0  }
0x4a: {  	s29 =	sadd.s32 $0x0, s15;
	[sflag:s26] =	ssyncadd.s32 $0xFFFF8000  }
0x4b: {  	[hbm4b:s29+s2] =	stream.linear.scatter [tilespmem:s19], [sflag:$0x3], $0x8000, $0x38;
	[tilespmem:$0x10200] =	vst v63  }
0x4c: {  	_ = 	snop  }
0x4d: {  	[tilespmem:s23], [sflag:$0x2] =	stream.indirect.gather [hbm4b:s4+s18], $0x80, s17, s18, $0xb8;
	[tilespmem:$0x10200] =	vst v63  }
0x4e: {  	_ = 	snop  }
0x4f: {  	[tilespmem:s25], [sflag:$0x2] =	stream.indirect.gather [hbm4b:s4+s18], $0x80, s24, s18, $0xb8;
	[tilespmem:$0x10200] =	vst v63  }
0x50: {  	_ =	swait.ge [sflag:s21], $0x100  }
0x51: {  	[sflag:s21] =	ssyncset.done $0x0  }
0x52: {  	[sflag:s21] =	ssyncadd.s32 $0xFFFFFF00  }
0x53: {  	_ =	swait.ge [sflag:s22], $0x4000  }
0x54: {  	p0 =	slt.s32 s14, s1;
	s29 =	smov.u32 s1;
	[sflag:s22] =	ssyncset.done $0x0  }
0x55: {  	s29 =	smov.u32 @p0 s14;
	[sflag:s22] =	ssyncadd.s32 $0xFFFFC000  }
0x56: {  	s29 =	sshll.u32 s29, $0x4;
	_ =	swait.ge [sflag:s22], $0x4000  }
0x57: {  	s29 =	sand.u32 $0x1FFFFFE0, s29;
	[sflag:s22] =	ssyncset.done $0x0  }
0x58: {  	s29 =	sadd.s32 s3, s29;
	[sflag:s22] =	ssyncadd.s32 $0xFFFFC000  }
0x59: {  	[tilespmem:s17], [sflag:$0x1] =	stream.linear.gather [hbm4b:s29+s2], $0x100, $0x38;
	[tilespmem:$0x10200] =	vst v63  }
0x5a: {  	_ =	swait.ge [sflag:s26], $0x8000  }
0x5b: {  	s31 =	sadd.s32 $0x0, s13;
	[sflag:s26] =	ssyncset.done $0x0  }
0x5c: {  	s30 =	sadd.s32 $0x4, s14;
	s29 =	simm.s32 $0x2000;
	[sflag:s26] =	ssyncadd.s32 $0xFFFF8000  }
.LBB2_2:
0x5d: {  	[hbm4b:s31+s2] =	stream.linear.scatter [tilespmem:s23], [sflag:$0x3], $0x8000, $0x38;
	[tilespmem:$0x10200] =	vst v63  }
0x5e: {  	p0 =	sne.s32 s29, $0x60000;
	s31 =	smov.u32 s29;
	s29 =	sadd.s32 $0x2000, s29  }
0x5f: {  	[tilespmem:s19], [sflag:$0x2] =	stream.indirect.gather [hbm4b:s4+s18], $0x80, s2, s18, $0xb8;
	[tilespmem:$0x10200] =	vst v63  }
0x60: {  	_ = 	snop  }
0x61: {  	[tilespmem:s20], [sflag:$0x2] =	stream.indirect.gather [hbm4b:s4+s18], $0x80, s18, s18, $0xb8;
	[tilespmem:$0x10200] =	vst v63  }
0x62: {  	_ =	swait.ge [sflag:s21], $0x100  }
0x63: {  	[sflag:s21] =	ssyncset.done $0x0  }
0x64: {  	[sflag:s21] =	ssyncadd.s32 $0xFFFFFF00  }
0x65: {  	s0 =	sadd.s32 $0xFFFFFFFE, s30;
	_ =	swait.ge [sflag:s22], $0x4000  }
0x66: {  	s6 =	smov.u32 s1;
	p1 =	slt.s32 s0, s1;
	[sflag:s22] =	ssyncset.done $0x0  }
0x67: {  	s6 =	smov.u32 @p1 s0;
	[sflag:s22] =	ssyncadd.s32 $0xFFFFC000  }
0x68: {  	s0 =	sshll.u32 s6, $0x4;
	_ =	swait.ge [sflag:s22], $0x4000  }
0x69: {  	s0 =	sand.u32 $0x1FFFFFE0, s0;
	[sflag:s22] =	ssyncset.done $0x0  }
0x6a: {  	s0 =	sadd.s32 s3, s0;
	[sflag:s22] =	ssyncadd.s32 $0xFFFFC000  }
0x6b: {  	[tilespmem:s2], [sflag:$0x1] =	stream.linear.gather [hbm4b:s0+s2], $0x100, $0x38;
	[tilespmem:$0x10200] =	vst v63  }
0x6c: {  	_ =	swait.ge [sflag:s26], $0x8000  }
0x6d: {  	[sflag:s26] =	ssyncset.done $0x0  }
0x6e: {  	s0 =	sadd.s32 s31, s15;
	[sflag:s26] =	ssyncadd.s32 $0xFFFF8000  }
0x6f: {  	[hbm4b:s0+s2] =	stream.linear.scatter [tilespmem:s19], [sflag:$0x3], $0x8000, $0x38;
	[tilespmem:$0x10200] =	vst v63  }
0x70: {  	_ = 	snop  }
0x71: {  	[tilespmem:s23], [sflag:$0x2] =	stream.indirect.gather [hbm4b:s4+s18], $0x80, s17, s18, $0xb8;
	[tilespmem:$0x10200] =	vst v63  }
0x72: {  	_ = 	snop  }
0x73: {  	[tilespmem:s25], [sflag:$0x2] =	stream.indirect.gather [hbm4b:s4+s18], $0x80, s24, s18, $0xb8;
	[tilespmem:$0x10200] =	vst v63  }
0x74: {  	_ =	swait.ge [sflag:s21], $0x100  }
0x75: {  	[sflag:s21] =	ssyncset.done $0x0  }
0x76: {  	[sflag:s21] =	ssyncadd.s32 $0xFFFFFF00  }
0x77: {  	_ =	swait.ge [sflag:s22], $0x4000  }
0x78: {  	p1 =	slt.s32 s30, s1;
	s0 =	smov.u32 s1;
	[sflag:s22] =	ssyncset.done $0x0  }
0x79: {  	s0 =	smov.u32 @p1 s30;
	[sflag:s22] =	ssyncadd.s32 $0xFFFFC000  }
0x7a: {  	s0 =	sshll.u32 s0, $0x4;
	_ =	swait.ge [sflag:s22], $0x4000  }
0x7b: {  	s0 =	sand.u32 $0x1FFFFFE0, s0;
	[sflag:s22] =	ssyncset.done $0x0  }
.Ltmp0:
0x7c: {  	s0 =	sadd.s32 s3, s0;
	[sflag:s22] =	ssyncadd.s32 $0xFFFFC000;
	(pc) =	sbr.rel @p0 .LBB2_2-.Ltmp0, $4  }
0x7d: {  	[tilespmem:s17], [sflag:$0x1] =	stream.linear.gather [hbm4b:s0+s2], $0x100, $0x38;
	[tilespmem:$0x10200] =	vst v63  }
0x7e: {  	_ =	swait.ge [sflag:s26], $0x8000  }
0x7f: {  	[sflag:s26] =	ssyncset.done $0x0  }
0x80: {  	s31 =	sadd.s32 s31, s13;
	s30 =	sadd.s32 $0x4, s30;
	[sflag:s26] =	ssyncadd.s32 $0xFFFF8000  }
0x81: {  	[hbm4b:s31+s2] =	stream.linear.scatter [tilespmem:s23], [sflag:$0x3], $0x8000, $0x38;
	[tilespmem:$0x10200] =	vst v63  }
0x82: {  	s28 =	sadd.s32 $0x1, s28  }
0x83: {  	_ =	swait.ge [sflag:s26], $0x8000;
	p0 =	sne.s32 s28, s8  }
.Ltmp1:
0x84: {  	[sflag:s26] =	ssyncset.done $0x0;
	(pc) =	sbr.rel @p0 .LBB2_1-.Ltmp1, $4  }
0x85: {  	[sflag:s26] =	ssyncadd.s32 $0xFFFF8000  }
0x86: {  	_ =	swait.ge [sflag:s21], $0x100  }
0x87: {  	[sflag:s21] =	ssyncset.done $0x0  }
0x88: {  	[sflag:s21] =	ssyncadd.s32 $0xFFFFFF00  }
0x89: {  	_ =	sfence.sel $0x180000  }
0x8a: {  	[bflag:$0x0] =	sbarrier.arrive $0xFFFF  }
0x8b: {  	_ =	strace $0x90000047  }
0x8c: {  	s0 =	stileid.u32;
	[bflag:$0x2] =	sbarrier.arrive $0xFFFF  }
0x8d: {  	p0 =	sne.s32 s0, $0x0;
	s0 =	rddreg [dreg:$0x1]  }
0x8e: {  	s0 =	sadd.s32 @!p0 $0x100000, s0  }
0x8f: {  	[sflag:s0] =	ssyncadd.tile.s32 @!p0 $0x1;
	_ =	shalt  }
.Lfunc_end2:
_tile_overlayer_lowered:
.L_overlay_start_2:
0x90: {  	(tag) =	ssettag $0x2  }
0x91: {  	s0 =	rddreg [dreg:$0x0];
	s2 =	stileid.u32  }
0x92: {  	s1 =	rddreg [dreg:$0x1];
	p0 =	sne.s32 s2, $0x0  }
0x93: {  	s3 =	rddreg [dreg:$0x2];
	[bflag:$0x3] =	sbarrier.arrive $0xFFFF;
	s2 =	simm.s32 @!p0 $0x1C04  }
0x94: {  	[timem:s3], [sflag:s2] =	dma.local @!p0 [hbm:s0], s1  }
0x95: {  	s0 =	simm.s32 @!p0 $0x4  }
0x96: {  	_ =	swait.ge @!p0 [sflag:s0], s1  }
0x97: {  	s1 =	ssub.s32 @!p0 $0x0, s1;
	[sflag:s0] =	ssyncset.done @!p0 $0x0  }
0x98: {  	[sflag:s0] =	ssyncadd.s32 @!p0 s1  }
0x99: {  	[bflag:$0x3] =	sbarrier.arrive $0xFFFF  }
0x9a: {  	_ =	shalt  }

// kernel: sparse-core-data-format-call.cloned.1.call-start
scs
called_computation_lowered:
.L_overlay_start_0:
0x0: {  	s2 =	sld [smem:$0x3FD9]  }
0x1: {  	s3 =	sld [smem:$0x3FFE];
	_ =	sdelay $0x1  }
0x2: {  	s1 =	srdreg.scid  }
0x3: {  	s0 =	sand.u32 $0x1, s1  }
0x4: {  	s18 =	sshll.u32 s0, $0xA;
	s2 =	sadd.s32 s3, s2  }
0x5: {  	s2 =	sadd.s32 s2, s18  }
0x6: {  	[smem:$0x3FC6] =	sst s2  }
0x7: {  	_ = 	snop  }
0x8: {  	s2 =	sld [smem:$0x3FD0];
	(tm) =	ssettm $0x1  }
0x9: {  	s19 =	sld [smem:$0x3FFB];
	_ =	sdelay $0x3  }
0xa: {  	_ =	strace s19  }
0xb: {  	s3 =	sld [smem:$0x3FFC];
	_ =	sdelay $0x3  }
0xc: {  	_ =	strace s3  }
0xd: {  	s3 =	sld [smem:$0x3FFD];
	_ =	sdelay $0x3  }
0xe: {  	_ =	strace s3  }
0xf: {  	_ =	strace $0x8FFFFFFF  }
0x10: {  	s20 =	sld [smem:$0x3FDB];
	_ =	sdelay $0x1  }
0x11: {  	s4 =	simm.s32 $_scs_section_size  }
0x12: {  	s5 =	simm.s32 $_size__tile_overlayer_lowered;
	s6 =	simm.s32 $_tile_overlayer_lowered  }
0x13: {  	s23 =	simm.s32 $0x1BFF;
	s22 =	sshll.u32 s6, $0x1;
	s3 =	sadd.s32 s4, s20  }
0x14: {  	s7 =	simm.s32 $0x0;
	s21 =	sshll.u32 s5, $0x1;
	s5 =	sadd.s32 s22, s3  }
0x15: {  	[timem:s7], [sflag:s23] =	dma.local [hbm:s5], s21  }
0x16: {  	_ =	swait.ge [sflag:s23], s21  }
0x17: {  	s4 =	ssub.s32 $0x0, s21;
	[sflag:s23] =	ssyncset.done $0x0  }
0x18: {  	[sflag:s23] =	ssyncadd.s32 s4;
	_ =	sdelay $0x1  }
0x19: {  	s24 =	simm.s32 $0x1B8B  }
0x1a: {  	_ =	swait.ge [sflag:s24], $0x1  }
0x1b: {  	[sflag:s24] =	ssyncset.done $0x0  }
0x1c: {  	s26 =	simm.s32 $0x1B8E;
	s25 =	sld [smem:$0x3FFE];
	[sflag:s24] =	ssyncadd.s32 $0xFFFFFFFF  }
0x1d: {  	s27 =	simm.s32 $execute0_lowered;
	[smem:$0x3FD2] =	sst s26  }
0x1e: {  	s5 =	sshll.u32 s27, $0x1;
	_ =	strace $0x80000049;
	[dreg:$0x1] =	wrdreg $0xFFFFFFFF  }
0x1f: {  	s28 =	simm.s32 $_size_execute0_lowered;
	s3 =	sadd.s32 s3, s5;
	[dreg:$0x0] =	wrdreg $0x0  }
0x20: {  	s5 =	sshll.u32 s28, $0x1;
	[dreg:$0x2] =	wrdreg s3  }
0x21: {  	[dreg:$0x3] =	wrdreg s5  }
0x22: {  	[dreg:$0x4] =	wrdreg $0xC0  }
0x23: {  	_ =	task [dreg:s7], $0x5FFFF  }
0x24: {  	[dreg:$0x1] =	wrdreg $0xFFFFFFFF  }
0x25: {  	[dreg:$0x0] =	wrdreg $0x60  }
0x26: {  	[dreg:$0x2] =	wrdreg s25  }
0x27: {  	[dreg:$0x3] =	wrdreg s2  }
0x28: {  	[dreg:$0x4] =	wrdreg $0x9  }
0x29: {  	_ =	task.clear_ibuf [dreg:s7], $0x5FFFF;
	_ =	strace $0x90000049  }
0x2a: {  	s29 =	simm.s32 $0x9;
	_ =	strace $0x8000004B  }
0x2b: {  	_ =	swait.ge [sflag:s29], $0x1  }
0x2c: {  	[sflag:s29] =	ssyncadd.s32 $0xFFFFFFFF  }
0x2d: {  	_ =	strace $0x9000004B  }
0x2e: {  	_ =	sfence  }
0x2f: {  	s30 =	sld [smem:$0x0];
	_ =	sdelay $0x2  }
0x30: {  	s31 =	sshll.u32 s1, $0xD;
	s1 =	sshrl.u32 s1, $0x2  }
0x31: {  	s3 =	sand.u32 $0x4000, s31;
	s1 =	sadd.s32 s1, s30  }
0x32: {  	s0 =	sor.u32 s3, s0;
	s1 =	sshll.u32 s1, $0x11  }
0x33: {  	s0 =	sor.u32 s1, s0  }
0x34: {  	s0 =	sadd.s32 $0x8F2B, s0  }
0x35: {  	[sflag:s0] =	ssyncadd.remote.s32 $0x1  }
0x36: {  	_ =	sfence.sel $0xFFFF  }
0x37: {  	[dreg:$0x0] =	wrdreg $0xFFFFFFFF;
	(pc) =	sbr.abs _section_cstart, $3  }
0x38: {  	[dreg:$0x1] =	wrdreg $0xFFFFFFFF  }
0x39: {  	_ =	task.clear_ibuf [dreg:s7], $0x2FFFF;
	_ =	strace $0x9FFFFFFF  }
0x3a: {  	(tm) =	ssettm $0x7FFFFFFF  }
0x3b: {  	_ =	shalt  }
tec
execute0_lowered:
.L_overlay_start_1:
0x0: {  	(tag) =	ssettag $0x1  }
0x1: {  	s0 =	srdreg.scid  }
0x2: {  	s1 =	sshll.u32 s0, $0x4  }
0x3: {  	s0 =	stileid.u32;
	s1 =	sand.u32 $0x10, s1  }
0x4: {  	s1 =	sor.u32 s0, s1  }
0x5: {  	s6 =	rddreg [dreg:$0x0];
	s4 =	simm.s32 $0x1;
	s2 =	sshll.u32 s1, $0x7  }
0x6: {  	s7 =	simm.s32 $0x2;
	s12 =	simm.s32 $0x0;
	s1 =	ssub.s32 $0x1000, s2  }
0x7: {  	s8 =	simm.s32 $0x8000;
	s13 =	simm.s32 $0x0;
	s3 =	sand.u32 $0xF80, s1  }
0x8: {  	s9 =	simm.s32 $0x0;
	s5 =	sshrl.u32 s1, $0xC;
	p0 =	sne.s32 s3, $0x0  }
.Ltmp0:
0x9: {  	s1 =	rddreg [dreg:$0x2];
	s4 =	simm.s32 @!p0 $0x0;
	(pc) =	sbr.rel .LBB1_1-.Ltmp0, $4  }
0xa: {  	s11 =	simm.s32 $0x0;
	s3 =	rddreg [dreg:$0x1];
	s5 =	sadd.s32 s4, s5  }
0xb: {  	_ =	strace $0x8000004A;
	s4 =	simm.s32 $0x1;
	s5 =	smul.u32 $0xC8, s5  }
0xc: {  	s6 =	sadd.s32 $0x1A0200, s6;
	s10 =	smov.u32 s2;
	[sflag:s4] =	ssyncpa.u1 $0x0  }
0xd: {  	p0 =	por $0x0, $0x0;
	[sflag:s7] =	ssyncpa.u1 $0x0;
	s7 =	sor.u32 $0x1, s5  }
.LBB1_4:
0xe: {  	s16 =	sshll.u32 s13, $0x3;
	s17 =	sand.u32 $0x78, s13  }
0xf: {  	s30 =	sand.u32 $0x7E00, s13;
	s12 =	sshll.u32 s12, $0xF;
	s16 =	sand.u32 $0xC00, s16  }
0x10: {  	[tilespmem:s15+$0x810 ss:$0x81] =	vst.msk $0xffff, v2;
	s31 =	sand.u32 $0x7, s13;
	s16 =	sor.u32 s17, s16;
	s17 =	sadd.s32 s3, s30  }
0x11: {  	[tilespmem:s15+$0x1020 ss:$0x81] =	vst.msk $0xffff, v0;
	s13 =	sshll.u32 s31, $0x12;
	s12 =	sadd.s32 s12, s17;
	s16 =	sshrl.u32 s16, $0x3  }
0x12: {  	[tilespmem:s15+$0x0 ss:$0x81] =	vst.msk $0xffff, v1;
	s13 =	sor.u32 $0x400, s13;
	s12 =	sadd.s32 s16, s12  }
0x13: {  	[hbm4b:s12+s13] =	stream.strided.scatter [tilespmem:s14], [sflag:$0x2], $0x2000, s8, s13, $0x20;
	[tilespmem:$0x8080] =	vst v63  }
.LBB1_5:
0x14: {  	s14 =	sadd.s32 $0x1, s9  }
0x15: {  	s12 =	sadd.s32 $0x1000, s10;
	s16 =	smov.u32 s10;
	p2 =	sgt.s32 s14, $0xC7  }
0x16: {  	s16 =	smov.u32 @p2 s12  }
0x17: {  	s14 =	simm.s32 @p2 $0x0;
	p2 =	sgt.s32 s16, $0xFFF  }
0x18: {  	s16 =	smov.u32 @p2 s2;
	p2 =	sne.s32 s11, s7  }
.Ltmp1:
0x19: {  	p1 =	slt.u32 s11, $0x2;
	(pc) =	sbr.rel @!p2 .LBB1_6-.Ltmp1, $4  }
0x1a: {  	s15 =	simm.s32 @!p1 $0x2  }
0x1b: {  	s13 =	smov.u32 s10;
	p0 =	por !p0, !p0;
	_ =	swait.ge @!p1 [sflag:s15], $0x2000  }
0x1c: {  	s12 =	smov.u32 s9;
	[sflag:s15] =	ssyncset.done @!p1 $0x0;
	s9 =	smov.u32 s14  }
0x1d: {  	s11 =	sadd.s32 $0x1, s11;
	[sflag:s15] =	ssyncadd.s32 @!p1 $0xFFFFE000;
	s10 =	smov.u32 s16  }
.LBB1_1:
0x1e: {  	p1 =	sge.u32 s11, s5  }
0x1f: {  	s14 =	sand.u32 @!p1 $0x1FFFFFF, s9  }
0x20: {  	s15 =	smulhi.u32 @!p1 $0x147AE15, s14;
	_ =	sdelay $0x1  }
0x21: {  	s15 =	smul.u32 @!p1 $0xC8, s15  }
0x22: {  	s16 =	sxor.u32 @!p1 $0xFFFFFFFF, s11;
	s17 =	smul.u32 @!p1 $0xC80, s10  }
0x23: {  	s31 =	sadd.s32 $0xFFFFFFFF, s11;
	s16 =	sshll.u32 @!p1 s16, $0xD;
	s14 =	ssub.s32 @!p1 s14, s15  }
0x24: {  	s15 =	sand.u32 @!p1 $0x2000, s16;
	s16 =	sadd.s32 @!p1 s6, s17;
	s14 =	sshll.u32 @!p1 s14, $0x4  }
0x25: {  	s17 =	simm.s32 @!p1 $0x6400;
	s14 =	sadd.s32 @!p1 s14, s16;
	s16 =	simm.s32 @!p1 $0x40  }
0x26: {  	[tilespmem:s15], [sflag:$0x1] =	stream.strided.gather @!p1 [hbm4b:s14+s16], $0x2000, s17, s16, $0x38;
	[tilespmem:$0x8080] =	vst v63  }
0x27: {  	p1 =	sge.u32 s31, s5  }
.Ltmp2:
0x28: {  	_ = 	snop;
	(pc) =	sbr.rel @p1 .LBB1_5-.Ltmp2, $1  }
0x29: {  	_ =	sdelay $0x3  }
0x2a: {  	s14 =	simm.s32 $0x1  }
0x2b: {  	_ =	swait.ge [sflag:s4], $0x2000;
	s14 =	simm.s32 @!p0 $0x0  }
0x2c: {  	[sflag:s4] =	ssyncset.done $0x0;
	s15 =	sshll.u32 s14, $0xD  }
0x2d: {  	[sflag:s4] =	ssyncadd.s32 $0xFFFFE000;
	s18 =	sor.u32 $0x20, s15  }
0x2e: {  	s14 =	smul.u32 $0x8100, s14;
	v3 =	vld [tilespmem:s18+$0x10]  }
0x2f: {  	s30 =	sand.u32 $0x1, s11;
	v2 =	vld [tilespmem:s18+$0xFFFFFFF0]  }
0x30: {  	s15 =	smul.u32 $0x8100, s30;
	s14 =	sshrl.u32 s14, $0x2;
	v0 =	vld [tilespmem:s18+$0x0]  }
0x31: {  	v1 =	vld [tilespmem:s18+$0xFFFFFFE0];
	s16 =	sor.u32 $0x4000, s14  }
0x32: {  	s31 =	sshrl.u32 s15, $0x2;
	s15 =	sadd.s32 $0x0, s16  }
0x33: {  	s17 =	simm.s32 $0x4;
	s18 =	sadd.s32 $0x40, s18;
	s14 =	sor.u32 $0x4000, s31;
	[tilespmem:s15+$0x1830 ss:$0x81] =	vst.msk $0xffff, v3  }
.LBB1_3:
0x34: {  	v3 =	vld [tilespmem:s18+$0x10];
	p1 =	sne.s32 s17, $0x1FC;
	[tilespmem:s15+$0x810 ss:$0x81] =	vst.msk $0xffff, v2;
	s19 =	smov.u32 s17;
	s17 =	sadd.s32 $0x4, s17  }
.Ltmp3:
0x35: {  	v2 =	vld [tilespmem:s18+$0xFFFFFFF0];
	[tilespmem:s15+$0x1020 ss:$0x81] =	vst.msk $0xffff, v0;
	(pc) =	sbr.rel @p1 .LBB1_3-.Ltmp3, $4  }
0x36: {  	v0 =	vld [tilespmem:s18+$0x0];
	[tilespmem:s15+$0x0 ss:$0x81] =	vst.msk $0xffff, v1  }
0x37: {  	s15 =	sshra.s32 s19, $0x2;
	v1 =	vld [tilespmem:s18+$0xFFFFFFE0]  }
0x38: {  	s15 =	sadd.s32 s15, s16  }
0x39: {  	s18 =	sadd.s32 $0x40, s18;
	[tilespmem:s15+$0x1830 ss:$0x81] =	vst.msk $0xffff, v3  }
.Ltmp4:
0x3a: {  	_ = 	snop;
	(pc) =	sbr.rel .LBB1_4-.Ltmp4, $1  }
0x3b: {  	_ =	sdelay $0x3  }
.LBB1_6:
0x3c: {  	_ =	sfence.sel $0x180000  }
0x3d: {  	s2 =	simm.s32 $0x1;
	[bflag:$0x0] =	sbarrier.arrive $0xFFFF  }
0x3e: {  	s31 =	simm.s32 $0x2;
	[sflag:s2] =	ssyncpa.u1 $0x1  }
0x3f: {  	[sflag:s31] =	ssyncpa.u1 $0x1  }
0x40: {  	p0 =	sne.s32 s0, $0x0;
	_ =	strace $0x9000004A  }
0x41: {  	s0 =	sadd.s32 @!p0 $0x100000, s1;
	[bflag:$0x2] =	sbarrier.arrive $0xFFFF  }
0x42: {  	[sflag:s0] =	ssyncadd.tile.s32 @!p0 $0x1;
	_ =	shalt  }
.Lfunc_end1:
_tile_overlayer_lowered:
.L_overlay_start_2:
0x43: {  	(tag) =	ssettag $0x2  }
0x44: {  	s0 =	rddreg [dreg:$0x0];
	s2 =	stileid.u32  }
0x45: {  	s1 =	rddreg [dreg:$0x1];
	p0 =	sne.s32 s2, $0x0  }
0x46: {  	s3 =	rddreg [dreg:$0x2];
	[bflag:$0x3] =	sbarrier.arrive $0xFFFF;
	s2 =	simm.s32 @!p0 $0x1C01  }
0x47: {  	[timem:s3], [sflag:s2] =	dma.local @!p0 [hbm:s0], s1  }
0x48: {  	s0 =	simm.s32 @!p0 $0x1  }
0x49: {  	_ =	swait.ge @!p0 [sflag:s0], s1  }
0x4a: {  	s1 =	ssub.s32 @!p0 $0x0, s1;
	[sflag:s0] =	ssyncset.done @!p0 $0x0  }
0x4b: {  	[sflag:s0] =	ssyncadd.s32 @!p0 s1  }
0x4c: {  	[bflag:$0x3] =	sbarrier.arrive $0xFFFF  }
0x4d: {  	_ =	shalt  }

</sc_bundles>
